<compile_context>
chip_gen: v7x
topology: tpu7x:2x2x1
jax: 0.10.2.dev20260603
libtpu: 0.0.44.dev20260713+nightly
codegen_flags: <defaults>
</compile_context>

<pallas_src>
import functools

import jax
import jax.numpy as jnp
from jax import lax
from jax.experimental import pallas as pl
from jax.experimental.pallas import tpu as pltpu
from jax.experimental.pallas import tpu_sc as plsc

_HIGH = jax.lax.Precision.HIGHEST


def _u_body(x_ref, we_ref, wef_ref, wg_ref, wc_ref, u_ref):
    w_s = jax.lax.dot_general(
        wef_ref[...], we_ref[...], (((1,), (1,)), ((), ())), precision=_HIGH)
    w_y = jax.lax.dot_general(
        wc_ref[...], wg_ref[...], (((1,), (1,)), ((), ())), precision=_HIGH)
    w2t = jnp.concatenate([w_s, w_y], axis=0)
    u_ref[...] = jax.lax.dot_general(
        w2t, x_ref[...], (((1,), (1,)), ((), ())), precision=_HIGH)


def _fin_body(agg_ref, nd_ref, be_ref, wef_ref, bef_ref, bg_ref, wc_ref,
              bc_ref, out_ref):
    bias_s = jnp.sum(be_ref[0, :] * wef_ref[0, :]) + bef_ref[0, 0]
    bias_y = jnp.sum(bg_ref[0, :] * wc_ref[0, :]) + bc_ref[0, 0]
    nd = nd_ref[...]
    o_s = (agg_ref[0, 0] + agg_ref[1, 0]) * nd + bias_s
    o_y = (agg_ref[0, 1] + agg_ref[1, 1]) * nd + bias_y
    out_ref[...] = jnp.stack([o_s, o_y])


def _rsqrt16(x):
    i = lax.bitcast_convert_type(x, jnp.int32)
    y = lax.bitcast_convert_type(jnp.int32(0x5F3759DF) - (i >> 1), jnp.float32)
    for _ in range(3):
        y = y * (1.5 - 0.5 * x * y * y)
    return jnp.where(x > 0.5, y, 0.0)


def _make_deg_kernel(NP, EP):
    R = NP // 16
    B = EP // 32
    mesh = plsc.VectorSubcoreMesh(core_axis_name="c", subcore_axis_name="s")

    @functools.partial(
        pl.kernel,
        out_type=jax.ShapeDtypeStruct((2, 2, NP), jnp.float32),
        mesh=mesh,
        scratch_types=[
            pltpu.VMEM((B,), jnp.int32),
            pltpu.VMEM((B,), jnp.int32),
            pltpu.VMEM((B,), jnp.float32),
            pltpu.VMEM((R,), jnp.float32),
            pltpu.VMEM_SHARED((NP,), jnp.float32),
            pltpu.VMEM_SHARED((NP,), jnp.float32),
            pltpu.SemaphoreType.DMA,
            pltpu.SemaphoreType.DMA,
        ],
    )
    def deg_kernel(ei_hbm, deg_out,
                   sidx, didx, onesv, zv, dego_s, degi_s, sem0, sem1):
        c = lax.axis_index("c")
        s = lax.axis_index("s")
        rows = pl.ds(s * R, R)
        wid = s * 2 + c
        i0 = pltpu.async_copy(ei_hbm.at[pl.ds(wid * B, B)], sidx, sem0)
        i1 = pltpu.async_copy(ei_hbm.at[pl.ds(EP + wid * B, B)], didx, sem0)
        one16 = jnp.ones((16,), jnp.float32)
        zero16 = jnp.zeros((16,), jnp.float32)

        def fill(g, carry):
            onesv[pl.ds(g * 16, 16)] = one16
            return carry
        lax.fori_loop(0, B // 16, fill, 0)

        def fillz(g, carry):
            zv[pl.ds(g * 16, 16)] = zero16
            return carry
        lax.fori_loop(0, R // 16, fillz, 0)
        z0 = pltpu.async_copy(zv, dego_s.at[rows], sem0)
        z1 = pltpu.async_copy(zv, degi_s.at[rows], sem0)
        for cp in (i0, i1, z0, z1):
            cp.wait()
        plsc.subcore_barrier()
        a0 = pltpu.async_copy(onesv, dego_s.at[sidx], sem0, add=True)
        a1 = pltpu.async_copy(onesv, degi_s.at[didx], sem1, add=True)
        a0.wait()
        a1.wait()
        plsc.subcore_barrier()
        o0 = pltpu.async_copy(dego_s.at[rows], deg_out.at[c, 0, rows], sem0)
        o1 = pltpu.async_copy(degi_s.at[rows], deg_out.at[c, 1, rows], sem1)
        o0.wait()
        o1.wait()

    return deg_kernel


def _make_msg_kernel(NP, EP):
    R = NP // 16
    B = EP // 32
    mesh = plsc.VectorSubcoreMesh(core_axis_name="c", subcore_axis_name="s")

    @functools.partial(
        pl.kernel,
        out_type=[
            jax.ShapeDtypeStruct((2, 2, NP), jnp.float32),
            jax.ShapeDtypeStruct((NP,), jnp.float32),
        ],
        mesh=mesh,
        scratch_types=[
            pltpu.VMEM((B,), jnp.int32),
            pltpu.VMEM((B,), jnp.int32),
            pltpu.VMEM((B,), jnp.float32),
            pltpu.VMEM((B,), jnp.float32),
            pltpu.VMEM((R,), jnp.float32),
            pltpu.VMEM((R,), jnp.float32),
            pltpu.VMEM((R,), jnp.float32),
            pltpu.VMEM((R,), jnp.float32),
            pltpu.VMEM((R,), jnp.float32),
            pltpu.VMEM((R,), jnp.float32),
            pltpu.VMEM((R,), jnp.float32),
            pltpu.VMEM((R,), jnp.float32),
            pltpu.VMEM((R,), jnp.float32),
            pltpu.VMEM_SHARED((NP,), jnp.float32),
            pltpu.VMEM_SHARED((NP,), jnp.float32),
            pltpu.VMEM_SHARED((NP,), jnp.float32),
            pltpu.VMEM_SHARED((NP,), jnp.float32),
            pltpu.SemaphoreType.DMA,
            pltpu.SemaphoreType.DMA,
            pltpu.SemaphoreType.DMA,
            pltpu.SemaphoreType.DMA,
            pltpu.SemaphoreType.DMA,
        ],
    )
    def msg_kernel(u_hbm, deg_hbm, ei_hbm, agg_out, nd_out,
                   sidx, didx, msg0, msg1, da0, da1, db0, db1,
                   u0v, u1v, us0v, us1v, ndv,
                   us0_s, us1_s, agg0_s, agg1_s, sem0, sem1, sem2, sem3,
                   sem4):
        c = lax.axis_index("c")
        s = lax.axis_index("s")
        rows = pl.ds(s * R, R)
        wid = s * 2 + c
        st = [
            pltpu.async_copy(ei_hbm.at[pl.ds(wid * B, B)], sidx, sem0),
            pltpu.async_copy(ei_hbm.at[pl.ds(EP + wid * B, B)], didx, sem0),
            pltpu.async_copy(deg_hbm.at[0, 0, rows], da0, sem1),
            pltpu.async_copy(deg_hbm.at[1, 0, rows], da1, sem1),
            pltpu.async_copy(deg_hbm.at[0, 1, rows], db0, sem1),
            pltpu.async_copy(deg_hbm.at[1, 1, rows], db1, sem1),
            pltpu.async_copy(u_hbm.at[0, rows], u0v, sem1),
            pltpu.async_copy(u_hbm.at[1, rows], u1v, sem1),
        ]
        for cp in st[2:]:
            cp.wait()

        zero16 = jnp.zeros((16,), jnp.float32)

        def norm_g(g, carry):
            sl = pl.ds(g * 16, 16)
            ns = _rsqrt16(da0[sl] + da1[sl])
            ndv[sl] = _rsqrt16(db0[sl] + db1[sl])
            us0v[sl] = u0v[sl] * ns
            us1v[sl] = u1v[sl] * ns
            return carry
        lax.fori_loop(0, R // 16, norm_g, 0)

        w0 = pltpu.async_copy(us0v, us0_s.at[rows], sem1)
        w1 = pltpu.async_copy(us1v, us1_s.at[rows], sem1)

        @pl.when(c == 0)
        def _():
            pltpu.async_copy(ndv, nd_out.at[rows], sem4)

        def fillz(g, carry):
            da0[pl.ds(g * 16, 16)] = zero16
            return carry
        lax.fori_loop(0, R // 16, fillz, 0)
        z0 = pltpu.async_copy(da0, agg0_s.at[rows], sem1)
        z1 = pltpu.async_copy(da0, agg1_s.at[rows], sem1)
        for cp in (st[0], st[1], w0, w1, z0, z1):
            cp.wait()
        plsc.subcore_barrier()
        g0 = pltpu.async_copy(us0_s.at[sidx], msg0, sem0)
        g1 = pltpu.async_copy(us1_s.at[sidx], msg1, sem1)
        g0.wait()
        a0 = pltpu.async_copy(msg0, agg0_s.at[didx], sem2, add=True)
        g1.wait()
        a1 = pltpu.async_copy(msg1, agg1_s.at[didx], sem3, add=True)
        a0.wait()
        a1.wait()
        plsc.subcore_barrier()
        o0 = pltpu.async_copy(agg0_s.at[rows], agg_out.at[c, 0, rows], sem0)
        o1 = pltpu.async_copy(agg1_s.at[rows], agg_out.at[c, 1, rows], sem1)
        o0.wait()
        o1.wait()

        @pl.when(c == 0)
        def _():
            pltpu.make_async_copy(ndv, nd_out.at[rows], sem4).wait()

    return msg_kernel


def kernel(x, edge_index, W_est, b_est, W_est_fc, b_est_fc, W_gnn, b_gnn,
           W_cls, b_cls):
    N, D = x.shape
    E = edge_index.shape[1]

    NP = 256 * ((N + 255) // 256)
    EP = 256 * ((E + 255) // 256)
    if EP > E and NP == N:
        NP += 256

    npad = EP - E
    if npad:
        pad = N + (jnp.arange(npad, dtype=jnp.int32) % (NP - N))
        ei = jnp.concatenate([edge_index, jnp.stack([pad, pad])], axis=1)
    else:
        ei = edge_index
    eif = ei.reshape(-1)

    BR = 2048
    u = pl.pallas_call(
        _u_body,
        grid=(NP // BR,),
        in_specs=[
            pl.BlockSpec((BR, D), lambda i: (i, 0)),
            pl.BlockSpec((D, D), lambda i: (0, 0)),
            pl.BlockSpec((1, D), lambda i: (0, 0)),
            pl.BlockSpec((D, D), lambda i: (0, 0)),
            pl.BlockSpec((1, D), lambda i: (0, 0)),
        ],
        out_specs=pl.BlockSpec((2, BR), lambda i: (0, i)),
        out_shape=jax.ShapeDtypeStruct((2, NP), jnp.float32),
    )(x, W_est, W_est_fc.reshape(1, -1), W_gnn, W_cls.reshape(1, -1))

    deg = _make_deg_kernel(NP, EP)(eif)

    agg, nd = _make_msg_kernel(NP, EP)(u, deg, eif)

    out2 = pl.pallas_call(
        _fin_body,
        out_shape=jax.ShapeDtypeStruct((2, NP), jnp.float32),
    )(agg, nd, b_est.reshape(1, -1), W_est_fc.reshape(1, -1),
      b_est_fc.reshape(1, 1), b_gnn.reshape(1, -1), W_cls.reshape(1, -1),
      b_cls.reshape(1, 1))

    return (out2[1, :N, None], out2[0, :N, None])

# --- scband reference (transcript-rebuilt; emitter-appended) ---
"""Pipeline reference for scband-fair-gnn-22505628631099 (READ-ONLY COPY).

The authoritative reference and input builder live on the scoring server;
editing this copy changes nothing except your own understanding.
"""

import jax, jax.numpy as jnp
import numpy as np

N = 10000
E = 320000
D = 128
H = 128


def gcn_conv(x, W, b, src, dst, n):
    # DGL GraphConv with norm='both': h = D_dst^{-1/2} A (D_src^{-1/2} X W) + b
    ones = jnp.ones((src.shape[0],), dtype=x.dtype)
    deg_out = jnp.zeros((n,), dtype=x.dtype).at[src].add(ones)
    deg_in = jnp.zeros((n,), dtype=x.dtype).at[dst].add(ones)
    norm_src = jnp.where(deg_out > 0, deg_out ** -0.5, 0.0)
    norm_dst = jnp.where(deg_in > 0, deg_in ** -0.5, 0.0)
    h = x @ W
    h = h * norm_src[:, None]
    msgs = jnp.take(h, src, axis=0)
    agg = jnp.zeros((n, h.shape[1]), dtype=h.dtype).at[dst].add(msgs)
    agg = agg * norm_dst[:, None]
    return agg + b


def setup_inputs(seed: int = 0):
    key = jax.random.key(seed)
    ks = jax.random.split(key, 12)
    x = jax.random.normal(ks[0], (N, D), dtype=jnp.float32)
    edge_index = jax.random.randint(ks[1], (2, E), 0, N, dtype=jnp.int32)
    s = 1.0 / np.sqrt(D)
    sh = 1.0 / np.sqrt(H)
    return {
        "x": x,
        "edge_index": edge_index,
        # estimator: GCN(nfeat, hidden=128, 1) = GraphConv(D,H) + Linear(H,1)
        "W_est": jax.random.normal(ks[2], (D, H), dtype=jnp.float32) * s,
        "b_est": jnp.zeros((H,), dtype=jnp.float32),
        "W_est_fc": jax.random.normal(ks[3], (H, 1), dtype=jnp.float32) * sh,
        "b_est_fc": jnp.zeros((1,), dtype=jnp.float32),
        # GNN body: GCN_Body = GraphConv(D, num_hidden=128)
        "W_gnn": jax.random.normal(ks[4], (D, H), dtype=jnp.float32) * s,
        "b_gnn": jnp.zeros((H,), dtype=jnp.float32),
        # classifier: Linear(num_hidden, 1)
        "W_cls": jax.random.normal(ks[5], (H, 1), dtype=jnp.float32) * sh,
        "b_cls": jnp.zeros((1,), dtype=jnp.float32),
    }


def reference(x, edge_index, W_est, b_est, W_est_fc, b_est_fc, W_gnn, b_gnn, W_cls, b_cls):
    src = edge_index[0]
    dst = edge_index[1]
    n = x.shape[0]
    # s = self.estimator(g, x): GCN body then linear head
    h_est = gcn_conv(x, W_est, b_est, src, dst, n)
    s = h_est @ W_est_fc + b_est_fc
    # z = self.GNN(g, x): GCN_Body (single GraphConv)
    z = gcn_conv(x, W_gnn, b_gnn, src, dst, n)
    # y = self.classifier(z)
    y = z @ W_cls + b_cls
    return (y, s)

if __name__ == "__main__":
    import jax
    _d = setup_inputs()
    print(jax.jit(kernel)(*tuple(_d.values())))

</pallas_src>

<mosaic_0001>
#map = affine_map<(d0, d1) -> (0)>
#map1 = affine_map<(d0, d1) -> (0, 0, 0)>
module attributes {stable_mosaic.version = 14 : i64} {
  func.func @deg_kernel(%arg0: i32, %arg1: i32, %arg2: memref<640000xi32, #tpu.memory_space<hbm>>, %arg3: memref<2x2x10240xf32, #tpu.memory_space<hbm>>, %arg4: memref<10000xi32, #tpu.memory_space<vmem>>, %arg5: memref<10000xi32, #tpu.memory_space<vmem>>, %arg6: memref<10000xf32, #tpu.memory_space<vmem>>, %arg7: memref<640xf32, #tpu.memory_space<vmem>>, %arg8: memref<10240xf32, #tpu.memory_space<vmem_shared>>, %arg9: memref<10240xf32, #tpu.memory_space<vmem_shared>>, %arg10: memref<!tpu.dma_semaphore, #tpu.memory_space<semaphore_mem>>, %arg11: memref<!tpu.dma_semaphore, #tpu.memory_space<semaphore_mem>>) attributes {dimension_semantics = [#tpu.dimension_semantics<core_parallel>, #tpu.dimension_semantics<subcore_parallel>], iteration_bounds = array<i64: 2, 16>, scalar_prefetch = 0 : i64, scratch_operands = 8 : i64, tpu.core_type = #tpu.core_type<sc_vector_subcore>, window_params = [{transform_indices = #map}, {transform_indices = #map1}]} {
    %mul3A = arith.constant 640 : i32
    %mul3A_0 = arith.muli %arg1, %mul3A : i32
    %mul3A_1 = arith.constant 2 : i32
    %mul3A_2 = arith.muli %arg1, %mul3A_1 : i32
    %add3A = arith.addi %mul3A_2, %arg0 : i32
    %mul3A_3 = arith.constant 10000 : i32
    %mul3A_4 = arith.muli %add3A, %mul3A_3 : i32
    %dma_start3A = tpu.memref_slice %arg2[%mul3A_4] : memref<640000xi32, #tpu.memory_space<hbm>> -> memref<10000xi32, #tpu.memory_space<hbm>>
    %dma_start3A_5 = tpu.memref_slice %arg2[%mul3A_4] : memref<640000xi32, #tpu.memory_space<hbm>> -> memref<10000xi32, #tpu.memory_space<hbm>>
    tpu.enqueue_dma source(%dma_start3A_5 : memref<10000xi32, #tpu.memory_space<hbm>>) target(%arg4 : memref<10000xi32, #tpu.memory_space<vmem>>) target_semaphore(%arg10 : memref<!tpu.dma_semaphore, #tpu.memory_space<semaphore_mem>>)
    %mul3A_6 = arith.constant 10000 : i32
    %mul3A_7 = arith.muli %add3A, %mul3A_6 : i32
    %add3A_8 = arith.constant 320000 : i32
    %add3A_9 = arith.addi %add3A_8, %mul3A_7 : i32
    %dma_start3A_10 = tpu.memref_slice %arg2[%add3A_9] : memref<640000xi32, #tpu.memory_space<hbm>> -> memref<10000xi32, #tpu.memory_space<hbm>>
    %dma_start3A_11 = tpu.memref_slice %arg2[%add3A_9] : memref<640000xi32, #tpu.memory_space<hbm>> -> memref<10000xi32, #tpu.memory_space<hbm>>
    tpu.enqueue_dma source(%dma_start3A_11 : memref<10000xi32, #tpu.memory_space<hbm>>) target(%arg5 : memref<10000xi32, #tpu.memory_space<vmem>>) target_semaphore(%arg10 : memref<!tpu.dma_semaphore, #tpu.memory_space<semaphore_mem>>)
    %broadcast_in_dim3A = arith.constant 1.000000e+00 : f32
    %broadcast_in_dim3A_12 = vector.broadcast %broadcast_in_dim3A : f32 to vector<16xf32>
    %broadcast_in_dim3A_13 = arith.constant 0.000000e+00 : f32
    %broadcast_in_dim3A_14 = vector.broadcast %broadcast_in_dim3A_13 : f32 to vector<16xf32>
    %scan3A = arith.constant 0 : i32
    %scan3A_15 = arith.constant 0 : i32
    %scan3A_16 = arith.constant 625 : i32
    %scan3A_17 = arith.addi %scan3A_15, %scan3A_16 : i32
    %scan3A_18 = arith.constant 1 : i32
    scf.for %scan3A_62 = %scan3A_15 to %scan3A_17 step %scan3A_18  : i32 {
      %mul3A_63 = arith.constant 16 : i32
      %mul3A_64 = arith.muli %scan3A_62, %mul3A_63 : i32
      %swap3A = arith.index_cast %mul3A_64 : i32 to index
      %swap3A_65 = tpu.vector_load %arg6[%swap3A] {strides = array<i32>} : memref<10000xf32, #tpu.memory_space<vmem>>, vector<16xf32>,
      %swap3A_66 = vector.shape_cast %swap3A_65 : vector<16xf32> to vector<16xf32>
      %swap3A_67 = vector.shape_cast %broadcast_in_dim3A_12 : vector<16xf32> to vector<16xf32>
      tpu.vector_store %arg6[%swap3A], %swap3A_67 {strides = array<i32>} : memref<10000xf32, #tpu.memory_space<vmem>>, vector<16xf32>,
    }
    %scan3A_19 = arith.constant 625 : i32
    %scan3A_20 = arith.constant 0 : i32
    %scan3A_21 = arith.constant 0 : i32
    %scan3A_22 = arith.constant 40 : i32
    %scan3A_23 = arith.addi %scan3A_21, %scan3A_22 : i32
    %scan3A_24 = arith.constant 1 : i32
    scf.for %scan3A_62 = %scan3A_21 to %scan3A_23 step %scan3A_24  : i32 {
      %mul3A_63 = arith.constant 16 : i32
      %mul3A_64 = arith.muli %scan3A_62, %mul3A_63 : i32
      %swap3A = arith.index_cast %mul3A_64 : i32 to index
      %swap3A_65 = tpu.vector_load %arg7[%swap3A] {strides = array<i32>} : memref<640xf32, #tpu.memory_space<vmem>>, vector<16xf32>,
      %swap3A_66 = vector.shape_cast %swap3A_65 : vector<16xf32> to vector<16xf32>
      %swap3A_67 = vector.shape_cast %broadcast_in_dim3A_14 : vector<16xf32> to vector<16xf32>
      tpu.vector_store %arg7[%swap3A], %swap3A_67 {strides = array<i32>} : memref<640xf32, #tpu.memory_space<vmem>>, vector<16xf32>,
    }
    %scan3A_25 = arith.constant 40 : i32
    %dma_start3A_26 = tpu.memref_slice %arg8[%mul3A_0] : memref<10240xf32, #tpu.memory_space<vmem_shared>> -> memref<640xf32, #tpu.memory_space<vmem_shared>>
    %dma_start3A_27 = tpu.memref_slice %arg8[%mul3A_0] : memref<10240xf32, #tpu.memory_space<vmem_shared>> -> memref<640xf32, #tpu.memory_space<vmem_shared>>
    tpu.enqueue_dma source(%arg7 : memref<640xf32, #tpu.memory_space<vmem>>) target(%dma_start3A_27 : memref<640xf32, #tpu.memory_space<vmem_shared>>) target_semaphore(%arg10 : memref<!tpu.dma_semaphore, #tpu.memory_space<semaphore_mem>>)
    %dma_start3A_28 = tpu.memref_slice %arg9[%mul3A_0] : memref<10240xf32, #tpu.memory_space<vmem_shared>> -> memref<640xf32, #tpu.memory_space<vmem_shared>>
    %dma_start3A_29 = tpu.memref_slice %arg9[%mul3A_0] : memref<10240xf32, #tpu.memory_space<vmem_shared>> -> memref<640xf32, #tpu.memory_space<vmem_shared>>
    tpu.enqueue_dma source(%arg7 : memref<640xf32, #tpu.memory_space<vmem>>) target(%dma_start3A_29 : memref<640xf32, #tpu.memory_space<vmem_shared>>) target_semaphore(%arg10 : memref<!tpu.dma_semaphore, #tpu.memory_space<semaphore_mem>>)
    %dma_wait3A = tpu.memref_slice %arg2[%mul3A_4] : memref<640000xi32, #tpu.memory_space<hbm>> -> memref<10000xi32, #tpu.memory_space<hbm>>
    %dma_wait3A_30 = tpu.memref_slice %arg2[%mul3A_4] : memref<640000xi32, #tpu.memory_space<hbm>> -> memref<10000xi32, #tpu.memory_space<hbm>>
    tpu.wait_dma2 semaphore(%arg10 : memref<!tpu.dma_semaphore, #tpu.memory_space<semaphore_mem>>) src(%dma_wait3A_30 : memref<10000xi32, #tpu.memory_space<hbm>>) dst(%arg4 : memref<10000xi32, #tpu.memory_space<vmem>>)
    %dma_wait3A_31 = tpu.memref_slice %arg2[%add3A_9] : memref<640000xi32, #tpu.memory_space<hbm>> -> memref<10000xi32, #tpu.memory_space<hbm>>
    %dma_wait3A_32 = tpu.memref_slice %arg2[%add3A_9] : memref<640000xi32, #tpu.memory_space<hbm>> -> memref<10000xi32, #tpu.memory_space<hbm>>
    tpu.wait_dma2 semaphore(%arg10 : memref<!tpu.dma_semaphore, #tpu.memory_space<semaphore_mem>>) src(%dma_wait3A_32 : memref<10000xi32, #tpu.memory_space<hbm>>) dst(%arg5 : memref<10000xi32, #tpu.memory_space<vmem>>)
    %dma_wait3A_33 = tpu.memref_slice %arg8[%mul3A_0] : memref<10240xf32, #tpu.memory_space<vmem_shared>> -> memref<640xf32, #tpu.memory_space<vmem_shared>>
    %dma_wait3A_34 = tpu.memref_slice %arg8[%mul3A_0] : memref<10240xf32, #tpu.memory_space<vmem_shared>> -> memref<640xf32, #tpu.memory_space<vmem_shared>>
    tpu.wait_dma2 semaphore(%arg10 : memref<!tpu.dma_semaphore, #tpu.memory_space<semaphore_mem>>) src(%arg7 : memref<640xf32, #tpu.memory_space<vmem>>) dst(%dma_wait3A_34 : memref<640xf32, #tpu.memory_space<vmem_shared>>)
    %dma_wait3A_35 = tpu.memref_slice %arg9[%mul3A_0] : memref<10240xf32, #tpu.memory_space<vmem_shared>> -> memref<640xf32, #tpu.memory_space<vmem_shared>>
    %dma_wait3A_36 = tpu.memref_slice %arg9[%mul3A_0] : memref<10240xf32, #tpu.memory_space<vmem_shared>> -> memref<640xf32, #tpu.memory_space<vmem_shared>>
    tpu.wait_dma2 semaphore(%arg10 : memref<!tpu.dma_semaphore, #tpu.memory_space<semaphore_mem>>) src(%arg7 : memref<640xf32, #tpu.memory_space<vmem>>) dst(%dma_wait3A_36 : memref<640xf32, #tpu.memory_space<vmem_shared>>)
    %barrier3A = arith.constant 0 : index
    tpu.barrier barrier_id(%barrier3A)
    %dma_start3A_37 = arith.constant 0 : i32
    %dma_start3A_38 = tpu.memref_slice %arg8[%dma_start3A_37] : memref<10240xf32, #tpu.memory_space<vmem_shared>> -> memref<10240xf32, #tpu.memory_space<vmem_shared>>
    tpu.enqueue_indirect_dma source(%arg6 : memref<10000xf32, #tpu.memory_space<vmem>>) target(%dma_start3A_38 : memref<10240xf32, #tpu.memory_space<vmem_shared>>) offsets(%arg4 : memref<10000xi32, #tpu.memory_space<vmem>>) semaphore(%arg10 : memref<!tpu.dma_semaphore, #tpu.memory_space<semaphore_mem>>) {add = true}
    %dma_start3A_39 = arith.constant 0 : i32
    %dma_start3A_40 = tpu.memref_slice %arg9[%dma_start3A_39] : memref<10240xf32, #tpu.memory_space<vmem_shared>> -> memref<10240xf32, #tpu.memory_space<vmem_shared>>
    tpu.enqueue_indirect_dma source(%arg6 : memref<10000xf32, #tpu.memory_space<vmem>>) target(%dma_start3A_40 : memref<10240xf32, #tpu.memory_space<vmem_shared>>) offsets(%arg5 : memref<10000xi32, #tpu.memory_space<vmem>>) semaphore(%arg11 : memref<!tpu.dma_semaphore, #tpu.memory_space<semaphore_mem>>) {add = true}
    %dma_wait3A_41 = arith.constant 0 : i32
    %dma_wait3A_42 = tpu.memref_slice %arg8[%dma_wait3A_41] : memref<10240xf32, #tpu.memory_space<vmem_shared>> -> memref<10240xf32, #tpu.memory_space<vmem_shared>>
    tpu.wait_indirect_dma semaphore(%arg10 : memref<!tpu.dma_semaphore, #tpu.memory_space<semaphore_mem>>) src(%arg6 : memref<10000xf32, #tpu.memory_space<vmem>>) dst(%dma_wait3A_42 : memref<10240xf32, #tpu.memory_space<vmem_shared>>)
    %dma_wait3A_43 = arith.constant 0 : i32
    %dma_wait3A_44 = tpu.memref_slice %arg9[%dma_wait3A_43] : memref<10240xf32, #tpu.memory_space<vmem_shared>> -> memref<10240xf32, #tpu.memory_space<vmem_shared>>
    tpu.wait_indirect_dma semaphore(%arg11 : memref<!tpu.dma_semaphore, #tpu.memory_space<semaphore_mem>>) src(%arg6 : memref<10000xf32, #tpu.memory_space<vmem>>) dst(%dma_wait3A_44 : memref<10240xf32, #tpu.memory_space<vmem_shared>>)
    %barrier3A_45 = arith.constant 0 : index
    tpu.barrier barrier_id(%barrier3A_45)
    %dma_start3A_46 = arith.constant 0 : i32
    %dma_start3A_47 = tpu.memref_slice %arg3[%arg0, %dma_start3A_46, %mul3A_0] : memref<2x2x10240xf32, #tpu.memory_space<hbm>> -> memref<1x1x640xf32, #tpu.memory_space<hbm>>
    %dma_start3A_48 = tpu.memref_squeeze %dma_start3A_47 : memref<1x1x640xf32, #tpu.memory_space<hbm>> -> memref<640xf32, #tpu.memory_space<hbm>>
    %dma_start3A_49 = tpu.memref_slice %arg8[%mul3A_0] : memref<10240xf32, #tpu.memory_space<vmem_shared>> -> memref<640xf32, #tpu.memory_space<vmem_shared>>
    tpu.enqueue_dma source(%dma_start3A_49 : memref<640xf32, #tpu.memory_space<vmem_shared>>) target(%dma_start3A_48 : memref<640xf32, #tpu.memory_space<hbm>>) target_semaphore(%arg10 : memref<!tpu.dma_semaphore, #tpu.memory_space<semaphore_mem>>)
    %dma_start3A_50 = arith.constant 1 : i32
    %dma_start3A_51 = tpu.memref_slice %arg3[%arg0, %dma_start3A_50, %mul3A_0] : memref<2x2x10240xf32, #tpu.memory_space<hbm>> -> memref<1x1x640xf32, #tpu.memory_space<hbm>>
    %dma_start3A_52 = tpu.memref_squeeze %dma_start3A_51 : memref<1x1x640xf32, #tpu.memory_space<hbm>> -> memref<640xf32, #tpu.memory_space<hbm>>
    %dma_start3A_53 = tpu.memref_slice %arg9[%mul3A_0] : memref<10240xf32, #tpu.memory_space<vmem_shared>> -> memref<640xf32, #tpu.memory_space<vmem_shared>>
    tpu.enqueue_dma source(%dma_start3A_53 : memref<640xf32, #tpu.memory_space<vmem_shared>>) target(%dma_start3A_52 : memref<640xf32, #tpu.memory_space<hbm>>) target_semaphore(%arg11 : memref<!tpu.dma_semaphore, #tpu.memory_space<semaphore_mem>>)
    %dma_wait3A_54 = arith.constant 0 : i32
    %dma_wait3A_55 = tpu.memref_slice %arg3[%arg0, %dma_wait3A_54, %mul3A_0] : memref<2x2x10240xf32, #tpu.memory_space<hbm>> -> memref<1x1x640xf32, #tpu.memory_space<hbm>>
    %dma_wait3A_56 = tpu.memref_squeeze %dma_wait3A_55 : memref<1x1x640xf32, #tpu.memory_space<hbm>> -> memref<640xf32, #tpu.memory_space<hbm>>
    %dma_wait3A_57 = tpu.memref_slice %arg8[%mul3A_0] : memref<10240xf32, #tpu.memory_space<vmem_shared>> -> memref<640xf32, #tpu.memory_space<vmem_shared>>
    tpu.wait_dma2 semaphore(%arg10 : memref<!tpu.dma_semaphore, #tpu.memory_space<semaphore_mem>>) src(%dma_wait3A_57 : memref<640xf32, #tpu.memory_space<vmem_shared>>) dst(%dma_wait3A_56 : memref<640xf32, #tpu.memory_space<hbm>>)
    %dma_wait3A_58 = arith.constant 1 : i32
    %dma_wait3A_59 = tpu.memref_slice %arg3[%arg0, %dma_wait3A_58, %mul3A_0] : memref<2x2x10240xf32, #tpu.memory_space<hbm>> -> memref<1x1x640xf32, #tpu.memory_space<hbm>>
    %dma_wait3A_60 = tpu.memref_squeeze %dma_wait3A_59 : memref<1x1x640xf32, #tpu.memory_space<hbm>> -> memref<640xf32, #tpu.memory_space<hbm>>
    %dma_wait3A_61 = tpu.memref_slice %arg9[%mul3A_0] : memref<10240xf32, #tpu.memory_space<vmem_shared>> -> memref<640xf32, #tpu.memory_space<vmem_shared>>
    tpu.wait_dma2 semaphore(%arg11 : memref<!tpu.dma_semaphore, #tpu.memory_space<semaphore_mem>>) src(%dma_wait3A_61 : memref<640xf32, #tpu.memory_space<vmem_shared>>) dst(%dma_wait3A_60 : memref<640xf32, #tpu.memory_space<hbm>>)
    return
  }
}

#map = affine_map<(d0, d1) -> (0, 0)>
#map1 = affine_map<(d0, d1) -> (0, 0, 0)>
#map2 = affine_map<(d0, d1) -> (0)>
module attributes {stable_mosaic.version = 14 : i64} {
  func.func @msg_kernel(%arg0: i32, %arg1: i32, %arg2: memref<2x10240xf32, #tpu.memory_space<hbm>>, %arg3: memref<2x2x10240xf32, #tpu.memory_space<hbm>>, %arg4: memref<640000xi32, #tpu.memory_space<hbm>>, %arg5: memref<2x2x10240xf32, #tpu.memory_space<hbm>>, %arg6: memref<10240xf32, #tpu.memory_space<hbm>>, %arg7: memref<10000xi32, #tpu.memory_space<vmem>>, %arg8: memref<10000xi32, #tpu.memory_space<vmem>>, %arg9: memref<10000xf32, #tpu.memory_space<vmem>>, %arg10: memref<10000xf32, #tpu.memory_space<vmem>>, %arg11: memref<640xf32, #tpu.memory_space<vmem>>, %arg12: memref<640xf32, #tpu.memory_space<vmem>>, %arg13: memref<640xf32, #tpu.memory_space<vmem>>, %arg14: memref<640xf32, #tpu.memory_space<vmem>>, %arg15: memref<640xf32, #tpu.memory_space<vmem>>, %arg16: memref<640xf32, #tpu.memory_space<vmem>>, %arg17: memref<640xf32, #tpu.memory_space<vmem>>, %arg18: memref<640xf32, #tpu.memory_space<vmem>>, %arg19: memref<640xf32, #tpu.memory_space<vmem>>, %arg20: memref<10240xf32, #tpu.memory_space<vmem_shared>>, %arg21: memref<10240xf32, #tpu.memory_space<vmem_shared>>, %arg22: memref<10240xf32, #tpu.memory_space<vmem_shared>>, %arg23: memref<10240xf32, #tpu.memory_space<vmem_shared>>, %arg24: memref<!tpu.dma_semaphore, #tpu.memory_space<semaphore_mem>>, %arg25: memref<!tpu.dma_semaphore, #tpu.memory_space<semaphore_mem>>, %arg26: memref<!tpu.dma_semaphore, #tpu.memory_space<semaphore_mem>>, %arg27: memref<!tpu.dma_semaphore, #tpu.memory_space<semaphore_mem>>, %arg28: memref<!tpu.dma_semaphore, #tpu.memory_space<semaphore_mem>>) attributes {dimension_semantics = [#tpu.dimension_semantics<core_parallel>, #tpu.dimension_semantics<subcore_parallel>], iteration_bounds = array<i64: 2, 16>, scalar_prefetch = 0 : i64, scratch_operands = 22 : i64, tpu.core_type = #tpu.core_type<sc_vector_subcore>, window_params = [{transform_indices = #map}, {transform_indices = #map1}, {transform_indices = #map2}, {transform_indices = #map1}, {transform_indices = #map2}]} {
    %mul3A = arith.constant 640 : i32
    %mul3A_0 = arith.muli %arg1, %mul3A : i32
    %mul3A_1 = arith.constant 2 : i32
    %mul3A_2 = arith.muli %arg1, %mul3A_1 : i32
    %add3A = arith.addi %mul3A_2, %arg0 : i32
    %mul3A_3 = arith.constant 10000 : i32
    %mul3A_4 = arith.muli %add3A, %mul3A_3 : i32
    %dma_start3A = tpu.memref_slice %arg4[%mul3A_4] : memref<640000xi32, #tpu.memory_space<hbm>> -> memref<10000xi32, #tpu.memory_space<hbm>>
    %dma_start3A_5 = tpu.memref_slice %arg4[%mul3A_4] : memref<640000xi32, #tpu.memory_space<hbm>> -> memref<10000xi32, #tpu.memory_space<hbm>>
    tpu.enqueue_dma source(%dma_start3A_5 : memref<10000xi32, #tpu.memory_space<hbm>>) target(%arg7 : memref<10000xi32, #tpu.memory_space<vmem>>) target_semaphore(%arg24 : memref<!tpu.dma_semaphore, #tpu.memory_space<semaphore_mem>>)
    %mul3A_6 = arith.constant 10000 : i32
    %mul3A_7 = arith.muli %add3A, %mul3A_6 : i32
    %add3A_8 = arith.constant 320000 : i32
    %add3A_9 = arith.addi %add3A_8, %mul3A_7 : i32
    %dma_start3A_10 = tpu.memref_slice %arg4[%add3A_9] : memref<640000xi32, #tpu.memory_space<hbm>> -> memref<10000xi32, #tpu.memory_space<hbm>>
    %dma_start3A_11 = tpu.memref_slice %arg4[%add3A_9] : memref<640000xi32, #tpu.memory_space<hbm>> -> memref<10000xi32, #tpu.memory_space<hbm>>
    tpu.enqueue_dma source(%dma_start3A_11 : memref<10000xi32, #tpu.memory_space<hbm>>) target(%arg8 : memref<10000xi32, #tpu.memory_space<vmem>>) target_semaphore(%arg24 : memref<!tpu.dma_semaphore, #tpu.memory_space<semaphore_mem>>)
    %dma_start3A_12 = arith.constant 0 : i32
    %dma_start3A_13 = arith.constant 0 : i32
    %dma_start3A_14 = tpu.memref_slice %arg3[%dma_start3A_12, %dma_start3A_13, %mul3A_0] : memref<2x2x10240xf32, #tpu.memory_space<hbm>> -> memref<1x1x640xf32, #tpu.memory_space<hbm>>
    %dma_start3A_15 = tpu.memref_squeeze %dma_start3A_14 : memref<1x1x640xf32, #tpu.memory_space<hbm>> -> memref<640xf32, #tpu.memory_space<hbm>>
    %dma_start3A_16 = tpu.memref_slice %arg3[%dma_start3A_12, %dma_start3A_13, %mul3A_0] : memref<2x2x10240xf32, #tpu.memory_space<hbm>> -> memref<1x1x640xf32, #tpu.memory_space<hbm>>
    %dma_start3A_17 = tpu.memref_squeeze %dma_start3A_16 : memref<1x1x640xf32, #tpu.memory_space<hbm>> -> memref<640xf32, #tpu.memory_space<hbm>>
    tpu.enqueue_dma source(%dma_start3A_17 : memref<640xf32, #tpu.memory_space<hbm>>) target(%arg11 : memref<640xf32, #tpu.memory_space<vmem>>) target_semaphore(%arg25 : memref<!tpu.dma_semaphore, #tpu.memory_space<semaphore_mem>>)
    %dma_start3A_18 = arith.constant 1 : i32
    %dma_start3A_19 = arith.constant 0 : i32
    %dma_start3A_20 = tpu.memref_slice %arg3[%dma_start3A_18, %dma_start3A_19, %mul3A_0] : memref<2x2x10240xf32, #tpu.memory_space<hbm>> -> memref<1x1x640xf32, #tpu.memory_space<hbm>>
    %dma_start3A_21 = tpu.memref_squeeze %dma_start3A_20 : memref<1x1x640xf32, #tpu.memory_space<hbm>> -> memref<640xf32, #tpu.memory_space<hbm>>
    %dma_start3A_22 = tpu.memref_slice %arg3[%dma_start3A_18, %dma_start3A_19, %mul3A_0] : memref<2x2x10240xf32, #tpu.memory_space<hbm>> -> memref<1x1x640xf32, #tpu.memory_space<hbm>>
    %dma_start3A_23 = tpu.memref_squeeze %dma_start3A_22 : memref<1x1x640xf32, #tpu.memory_space<hbm>> -> memref<640xf32, #tpu.memory_space<hbm>>
    tpu.enqueue_dma source(%dma_start3A_23 : memref<640xf32, #tpu.memory_space<hbm>>) target(%arg12 : memref<640xf32, #tpu.memory_space<vmem>>) target_semaphore(%arg25 : memref<!tpu.dma_semaphore, #tpu.memory_space<semaphore_mem>>)
    %dma_start3A_24 = arith.constant 0 : i32
    %dma_start3A_25 = arith.constant 1 : i32
    %dma_start3A_26 = tpu.memref_slice %arg3[%dma_start3A_24, %dma_start3A_25, %mul3A_0] : memref<2x2x10240xf32, #tpu.memory_space<hbm>> -> memref<1x1x640xf32, #tpu.memory_space<hbm>>
    %dma_start3A_27 = tpu.memref_squeeze %dma_start3A_26 : memref<1x1x640xf32, #tpu.memory_space<hbm>> -> memref<640xf32, #tpu.memory_space<hbm>>
    %dma_start3A_28 = tpu.memref_slice %arg3[%dma_start3A_24, %dma_start3A_25, %mul3A_0] : memref<2x2x10240xf32, #tpu.memory_space<hbm>> -> memref<1x1x640xf32, #tpu.memory_space<hbm>>
    %dma_start3A_29 = tpu.memref_squeeze %dma_start3A_28 : memref<1x1x640xf32, #tpu.memory_space<hbm>> -> memref<640xf32, #tpu.memory_space<hbm>>
    tpu.enqueue_dma source(%dma_start3A_29 : memref<640xf32, #tpu.memory_space<hbm>>) target(%arg13 : memref<640xf32, #tpu.memory_space<vmem>>) target_semaphore(%arg25 : memref<!tpu.dma_semaphore, #tpu.memory_space<semaphore_mem>>)
    %dma_start3A_30 = arith.constant 1 : i32
    %dma_start3A_31 = arith.constant 1 : i32
    %dma_start3A_32 = tpu.memref_slice %arg3[%dma_start3A_30, %dma_start3A_31, %mul3A_0] : memref<2x2x10240xf32, #tpu.memory_space<hbm>> -> memref<1x1x640xf32, #tpu.memory_space<hbm>>
    %dma_start3A_33 = tpu.memref_squeeze %dma_start3A_32 : memref<1x1x640xf32, #tpu.memory_space<hbm>> -> memref<640xf32, #tpu.memory_space<hbm>>
    %dma_start3A_34 = tpu.memref_slice %arg3[%dma_start3A_30, %dma_start3A_31, %mul3A_0] : memref<2x2x10240xf32, #tpu.memory_space<hbm>> -> memref<1x1x640xf32, #tpu.memory_space<hbm>>
    %dma_start3A_35 = tpu.memref_squeeze %dma_start3A_34 : memref<1x1x640xf32, #tpu.memory_space<hbm>> -> memref<640xf32, #tpu.memory_space<hbm>>
    tpu.enqueue_dma source(%dma_start3A_35 : memref<640xf32, #tpu.memory_space<hbm>>) target(%arg14 : memref<640xf32, #tpu.memory_space<vmem>>) target_semaphore(%arg25 : memref<!tpu.dma_semaphore, #tpu.memory_space<semaphore_mem>>)
    %dma_start3A_36 = arith.constant 0 : i32
    %dma_start3A_37 = tpu.memref_slice %arg2[%dma_start3A_36, %mul3A_0] : memref<2x10240xf32, #tpu.memory_space<hbm>> -> memref<1x640xf32, #tpu.memory_space<hbm>>
    %dma_start3A_38 = tpu.memref_squeeze %dma_start3A_37 : memref<1x640xf32, #tpu.memory_space<hbm>> -> memref<640xf32, #tpu.memory_space<hbm>>
    %dma_start3A_39 = tpu.memref_slice %arg2[%dma_start3A_36, %mul3A_0] : memref<2x10240xf32, #tpu.memory_space<hbm>> -> memref<1x640xf32, #tpu.memory_space<hbm>>
    %dma_start3A_40 = tpu.memref_squeeze %dma_start3A_39 : memref<1x640xf32, #tpu.memory_space<hbm>> -> memref<640xf32, #tpu.memory_space<hbm>>
    tpu.enqueue_dma source(%dma_start3A_40 : memref<640xf32, #tpu.memory_space<hbm>>) target(%arg15 : memref<640xf32, #tpu.memory_space<vmem>>) target_semaphore(%arg25 : memref<!tpu.dma_semaphore, #tpu.memory_space<semaphore_mem>>)
    %dma_start3A_41 = arith.constant 1 : i32
    %dma_start3A_42 = tpu.memref_slice %arg2[%dma_start3A_41, %mul3A_0] : memref<2x10240xf32, #tpu.memory_space<hbm>> -> memref<1x640xf32, #tpu.memory_space<hbm>>
    %dma_start3A_43 = tpu.memref_squeeze %dma_start3A_42 : memref<1x640xf32, #tpu.memory_space<hbm>> -> memref<640xf32, #tpu.memory_space<hbm>>
    %dma_start3A_44 = tpu.memref_slice %arg2[%dma_start3A_41, %mul3A_0] : memref<2x10240xf32, #tpu.memory_space<hbm>> -> memref<1x640xf32, #tpu.memory_space<hbm>>
    %dma_start3A_45 = tpu.memref_squeeze %dma_start3A_44 : memref<1x640xf32, #tpu.memory_space<hbm>> -> memref<640xf32, #tpu.memory_space<hbm>>
    tpu.enqueue_dma source(%dma_start3A_45 : memref<640xf32, #tpu.memory_space<hbm>>) target(%arg16 : memref<640xf32, #tpu.memory_space<vmem>>) target_semaphore(%arg25 : memref<!tpu.dma_semaphore, #tpu.memory_space<semaphore_mem>>)
    %dma_wait3A = arith.constant 0 : i32
    %dma_wait3A_46 = arith.constant 0 : i32
    %dma_wait3A_47 = tpu.memref_slice %arg3[%dma_wait3A, %dma_wait3A_46, %mul3A_0] : memref<2x2x10240xf32, #tpu.memory_space<hbm>> -> memref<1x1x640xf32, #tpu.memory_space<hbm>>
    %dma_wait3A_48 = tpu.memref_squeeze %dma_wait3A_47 : memref<1x1x640xf32, #tpu.memory_space<hbm>> -> memref<640xf32, #tpu.memory_space<hbm>>
    %dma_wait3A_49 = tpu.memref_slice %arg3[%dma_wait3A, %dma_wait3A_46, %mul3A_0] : memref<2x2x10240xf32, #tpu.memory_space<hbm>> -> memref<1x1x640xf32, #tpu.memory_space<hbm>>
    %dma_wait3A_50 = tpu.memref_squeeze %dma_wait3A_49 : memref<1x1x640xf32, #tpu.memory_space<hbm>> -> memref<640xf32, #tpu.memory_space<hbm>>
    tpu.wait_dma2 semaphore(%arg25 : memref<!tpu.dma_semaphore, #tpu.memory_space<semaphore_mem>>) src(%dma_wait3A_50 : memref<640xf32, #tpu.memory_space<hbm>>) dst(%arg11 : memref<640xf32, #tpu.memory_space<vmem>>)
    %dma_wait3A_51 = arith.constant 1 : i32
    %dma_wait3A_52 = arith.constant 0 : i32
    %dma_wait3A_53 = tpu.memref_slice %arg3[%dma_wait3A_51, %dma_wait3A_52, %mul3A_0] : memref<2x2x10240xf32, #tpu.memory_space<hbm>> -> memref<1x1x640xf32, #tpu.memory_space<hbm>>
    %dma_wait3A_54 = tpu.memref_squeeze %dma_wait3A_53 : memref<1x1x640xf32, #tpu.memory_space<hbm>> -> memref<640xf32, #tpu.memory_space<hbm>>
    %dma_wait3A_55 = tpu.memref_slice %arg3[%dma_wait3A_51, %dma_wait3A_52, %mul3A_0] : memref<2x2x10240xf32, #tpu.memory_space<hbm>> -> memref<1x1x640xf32, #tpu.memory_space<hbm>>
    %dma_wait3A_56 = tpu.memref_squeeze %dma_wait3A_55 : memref<1x1x640xf32, #tpu.memory_space<hbm>> -> memref<640xf32, #tpu.memory_space<hbm>>
    tpu.wait_dma2 semaphore(%arg25 : memref<!tpu.dma_semaphore, #tpu.memory_space<semaphore_mem>>) src(%dma_wait3A_56 : memref<640xf32, #tpu.memory_space<hbm>>) dst(%arg12 : memref<640xf32, #tpu.memory_space<vmem>>)
    %dma_wait3A_57 = arith.constant 0 : i32
    %dma_wait3A_58 = arith.constant 1 : i32
    %dma_wait3A_59 = tpu.memref_slice %arg3[%dma_wait3A_57, %dma_wait3A_58, %mul3A_0] : memref<2x2x10240xf32, #tpu.memory_space<hbm>> -> memref<1x1x640xf32, #tpu.memory_space<hbm>>
    %dma_wait3A_60 = tpu.memref_squeeze %dma_wait3A_59 : memref<1x1x640xf32, #tpu.memory_space<hbm>> -> memref<640xf32, #tpu.memory_space<hbm>>
    %dma_wait3A_61 = tpu.memref_slice %arg3[%dma_wait3A_57, %dma_wait3A_58, %mul3A_0] : memref<2x2x10240xf32, #tpu.memory_space<hbm>> -> memref<1x1x640xf32, #tpu.memory_space<hbm>>
    %dma_wait3A_62 = tpu.memref_squeeze %dma_wait3A_61 : memref<1x1x640xf32, #tpu.memory_space<hbm>> -> memref<640xf32, #tpu.memory_space<hbm>>
    tpu.wait_dma2 semaphore(%arg25 : memref<!tpu.dma_semaphore, #tpu.memory_space<semaphore_mem>>) src(%dma_wait3A_62 : memref<640xf32, #tpu.memory_space<hbm>>) dst(%arg13 : memref<640xf32, #tpu.memory_space<vmem>>)
    %dma_wait3A_63 = arith.constant 1 : i32
    %dma_wait3A_64 = arith.constant 1 : i32
    %dma_wait3A_65 = tpu.memref_slice %arg3[%dma_wait3A_63, %dma_wait3A_64, %mul3A_0] : memref<2x2x10240xf32, #tpu.memory_space<hbm>> -> memref<1x1x640xf32, #tpu.memory_space<hbm>>
    %dma_wait3A_66 = tpu.memref_squeeze %dma_wait3A_65 : memref<1x1x640xf32, #tpu.memory_space<hbm>> -> memref<640xf32, #tpu.memory_space<hbm>>
    %dma_wait3A_67 = tpu.memref_slice %arg3[%dma_wait3A_63, %dma_wait3A_64, %mul3A_0] : memref<2x2x10240xf32, #tpu.memory_space<hbm>> -> memref<1x1x640xf32, #tpu.memory_space<hbm>>
    %dma_wait3A_68 = tpu.memref_squeeze %dma_wait3A_67 : memref<1x1x640xf32, #tpu.memory_space<hbm>> -> memref<640xf32, #tpu.memory_space<hbm>>
    tpu.wait_dma2 semaphore(%arg25 : memref<!tpu.dma_semaphore, #tpu.memory_space<semaphore_mem>>) src(%dma_wait3A_68 : memref<640xf32, #tpu.memory_space<hbm>>) dst(%arg14 : memref<640xf32, #tpu.memory_space<vmem>>)
    %dma_wait3A_69 = arith.constant 0 : i32
    %dma_wait3A_70 = tpu.memref_slice %arg2[%dma_wait3A_69, %mul3A_0] : memref<2x10240xf32, #tpu.memory_space<hbm>> -> memref<1x640xf32, #tpu.memory_space<hbm>>
    %dma_wait3A_71 = tpu.memref_squeeze %dma_wait3A_70 : memref<1x640xf32, #tpu.memory_space<hbm>> -> memref<640xf32, #tpu.memory_space<hbm>>
    %dma_wait3A_72 = tpu.memref_slice %arg2[%dma_wait3A_69, %mul3A_0] : memref<2x10240xf32, #tpu.memory_space<hbm>> -> memref<1x640xf32, #tpu.memory_space<hbm>>
    %dma_wait3A_73 = tpu.memref_squeeze %dma_wait3A_72 : memref<1x640xf32, #tpu.memory_space<hbm>> -> memref<640xf32, #tpu.memory_space<hbm>>
    tpu.wait_dma2 semaphore(%arg25 : memref<!tpu.dma_semaphore, #tpu.memory_space<semaphore_mem>>) src(%dma_wait3A_73 : memref<640xf32, #tpu.memory_space<hbm>>) dst(%arg15 : memref<640xf32, #tpu.memory_space<vmem>>)
    %dma_wait3A_74 = arith.constant 1 : i32
    %dma_wait3A_75 = tpu.memref_slice %arg2[%dma_wait3A_74, %mul3A_0] : memref<2x10240xf32, #tpu.memory_space<hbm>> -> memref<1x640xf32, #tpu.memory_space<hbm>>
    %dma_wait3A_76 = tpu.memref_squeeze %dma_wait3A_75 : memref<1x640xf32, #tpu.memory_space<hbm>> -> memref<640xf32, #tpu.memory_space<hbm>>
    %dma_wait3A_77 = tpu.memref_slice %arg2[%dma_wait3A_74, %mul3A_0] : memref<2x10240xf32, #tpu.memory_space<hbm>> -> memref<1x640xf32, #tpu.memory_space<hbm>>
    %dma_wait3A_78 = tpu.memref_squeeze %dma_wait3A_77 : memref<1x640xf32, #tpu.memory_space<hbm>> -> memref<640xf32, #tpu.memory_space<hbm>>
    tpu.wait_dma2 semaphore(%arg25 : memref<!tpu.dma_semaphore, #tpu.memory_space<semaphore_mem>>) src(%dma_wait3A_78 : memref<640xf32, #tpu.memory_space<hbm>>) dst(%arg16 : memref<640xf32, #tpu.memory_space<vmem>>)
    %broadcast_in_dim3A = arith.constant 0.000000e+00 : f32
    %broadcast_in_dim3A_79 = vector.broadcast %broadcast_in_dim3A : f32 to vector<16xf32>
    %scan3A = arith.constant 0 : i32
    %scan3A_80 = arith.constant 0 : i32
    %scan3A_81 = arith.constant 40 : i32
    %scan3A_82 = arith.addi %scan3A_80, %scan3A_81 : i32
    %scan3A_83 = arith.constant 1 : i32
    scf.for %scan3A_151 = %scan3A_80 to %scan3A_82 step %scan3A_83  : i32 {
      %mul3A_152 = arith.constant 16 : i32
      %mul3A_153 = arith.muli %scan3A_151, %mul3A_152 : i32
      %get3A = arith.index_cast %mul3A_153 : i32 to index
      %get3A_154 = tpu.vector_load %arg11[%get3A] {strides = array<i32>} : memref<640xf32, #tpu.memory_space<vmem>>, vector<16xf32>,
      %get3A_155 = vector.shape_cast %get3A_154 : vector<16xf32> to vector<16xf32>
      %get3A_156 = arith.index_cast %mul3A_153 : i32 to index
      %get3A_157 = tpu.vector_load %arg12[%get3A_156] {strides = array<i32>} : memref<640xf32, #tpu.memory_space<vmem>>, vector<16xf32>,
      %get3A_158 = vector.shape_cast %get3A_157 : vector<16xf32> to vector<16xf32>
      %add3A_159 = arith.addf %get3A_155, %get3A_158 : vector<16xf32>
      %bitcast_convert_type3A = tpu.bitcast %add3A_159 : vector<16xf32> -> vector<16xi32>
      %shift_right_arithmetic3A = arith.constant 1 : i32
      %shift_right_arithmetic3A_160 = vector.broadcast %shift_right_arithmetic3A : i32 to vector<16xi32>
      %shift_right_arithmetic3A_161 = arith.shrsi %bitcast_convert_type3A, %shift_right_arithmetic3A_160 : vector<16xi32>
      %sub3A = arith.constant 1597463007 : i32
      %sub3A_162 = vector.broadcast %sub3A : i32 to vector<16xi32>
      %sub3A_163 = arith.subi %sub3A_162, %shift_right_arithmetic3A_161 : vector<16xi32>
      %bitcast_convert_type3A_164 = tpu.bitcast %sub3A_163 : vector<16xi32> -> vector<16xf32>
      %mul3A_165 = arith.constant 5.000000e-01 : f32
      %mul3A_166 = vector.broadcast %mul3A_165 : f32 to vector<16xf32>
      %mul3A_167 = arith.mulf %mul3A_166, %add3A_159 : vector<16xf32>
      %mul3A_168 = arith.mulf %mul3A_167, %bitcast_convert_type3A_164 : vector<16xf32>
      %mul3A_169 = arith.mulf %mul3A_168, %bitcast_convert_type3A_164 : vector<16xf32>
      %sub3A_170 = arith.constant 1.500000e+00 : f32
      %sub3A_171 = vector.broadcast %sub3A_170 : f32 to vector<16xf32>
      %sub3A_172 = arith.subf %sub3A_171, %mul3A_169 : vector<16xf32>
      %mul3A_173 = arith.mulf %bitcast_convert_type3A_164, %sub3A_172 : vector<16xf32>
      %mul3A_174 = arith.constant 5.000000e-01 : f32
      %mul3A_175 = vector.broadcast %mul3A_174 : f32 to vector<16xf32>
      %mul3A_176 = arith.mulf %mul3A_175, %add3A_159 : vector<16xf32>
      %mul3A_177 = arith.mulf %mul3A_176, %mul3A_173 : vector<16xf32>
      %mul3A_178 = arith.mulf %mul3A_177, %mul3A_173 : vector<16xf32>
      %sub3A_179 = arith.constant 1.500000e+00 : f32
      %sub3A_180 = vector.broadcast %sub3A_179 : f32 to vector<16xf32>
      %sub3A_181 = arith.subf %sub3A_180, %mul3A_178 : vector<16xf32>
      %mul3A_182 = arith.mulf %mul3A_173, %sub3A_181 : vector<16xf32>
      %mul3A_183 = arith.constant 5.000000e-01 : f32
      %mul3A_184 = vector.broadcast %mul3A_183 : f32 to vector<16xf32>
      %mul3A_185 = arith.mulf %mul3A_184, %add3A_159 : vector<16xf32>
      %mul3A_186 = arith.mulf %mul3A_185, %mul3A_182 : vector<16xf32>
      %mul3A_187 = arith.mulf %mul3A_186, %mul3A_182 : vector<16xf32>
      %sub3A_188 = arith.constant 1.500000e+00 : f32
      %sub3A_189 = vector.broadcast %sub3A_188 : f32 to vector<16xf32>
      %sub3A_190 = arith.subf %sub3A_189, %mul3A_187 : vector<16xf32>
      %mul3A_191 = arith.mulf %mul3A_182, %sub3A_190 : vector<16xf32>
      %gt3A = arith.constant 5.000000e-01 : f32
      %gt3A_192 = vector.broadcast %gt3A : f32 to vector<16xf32>
      %gt3A_193 = arith.cmpf ogt, %add3A_159, %gt3A_192 : vector<16xf32>
      %jit3A = arith.constant 0.000000e+00 : f32
      %broadcast_in_dim3A_194 = vector.broadcast %jit3A : f32 to vector<16xf32>
      %select_n3A = arith.select %gt3A_193, %mul3A_191, %broadcast_in_dim3A_194 : vector<16xi1>, vector<16xf32>
      %get3A_195 = arith.index_cast %mul3A_153 : i32 to index
      %get3A_196 = tpu.vector_load %arg13[%get3A_195] {strides = array<i32>} : memref<640xf32, #tpu.memory_space<vmem>>, vector<16xf32>,
      %get3A_197 = vector.shape_cast %get3A_196 : vector<16xf32> to vector<16xf32>
      %get3A_198 = arith.index_cast %mul3A_153 : i32 to index
      %get3A_199 = tpu.vector_load %arg14[%get3A_198] {strides = array<i32>} : memref<640xf32, #tpu.memory_space<vmem>>, vector<16xf32>,
      %get3A_200 = vector.shape_cast %get3A_199 : vector<16xf32> to vector<16xf32>
      %add3A_201 = arith.addf %get3A_197, %get3A_200 : vector<16xf32>
      %bitcast_convert_type3A_202 = tpu.bitcast %add3A_201 : vector<16xf32> -> vector<16xi32>
      %shift_right_arithmetic3A_203 = arith.constant 1 : i32
      %shift_right_arithmetic3A_204 = vector.broadcast %shift_right_arithmetic3A_203 : i32 to vector<16xi32>
      %shift_right_arithmetic3A_205 = arith.shrsi %bitcast_convert_type3A_202, %shift_right_arithmetic3A_204 : vector<16xi32>
      %sub3A_206 = arith.constant 1597463007 : i32
      %sub3A_207 = vector.broadcast %sub3A_206 : i32 to vector<16xi32>
      %sub3A_208 = arith.subi %sub3A_207, %shift_right_arithmetic3A_205 : vector<16xi32>
      %bitcast_convert_type3A_209 = tpu.bitcast %sub3A_208 : vector<16xi32> -> vector<16xf32>
      %mul3A_210 = arith.constant 5.000000e-01 : f32
      %mul3A_211 = vector.broadcast %mul3A_210 : f32 to vector<16xf32>
      %mul3A_212 = arith.mulf %mul3A_211, %add3A_201 : vector<16xf32>
      %mul3A_213 = arith.mulf %mul3A_212, %bitcast_convert_type3A_209 : vector<16xf32>
      %mul3A_214 = arith.mulf %mul3A_213, %bitcast_convert_type3A_209 : vector<16xf32>
      %sub3A_215 = arith.constant 1.500000e+00 : f32
      %sub3A_216 = vector.broadcast %sub3A_215 : f32 to vector<16xf32>
      %sub3A_217 = arith.subf %sub3A_216, %mul3A_214 : vector<16xf32>
      %mul3A_218 = arith.mulf %bitcast_convert_type3A_209, %sub3A_217 : vector<16xf32>
      %mul3A_219 = arith.constant 5.000000e-01 : f32
      %mul3A_220 = vector.broadcast %mul3A_219 : f32 to vector<16xf32>
      %mul3A_221 = arith.mulf %mul3A_220, %add3A_201 : vector<16xf32>
      %mul3A_222 = arith.mulf %mul3A_221, %mul3A_218 : vector<16xf32>
      %mul3A_223 = arith.mulf %mul3A_222, %mul3A_218 : vector<16xf32>
      %sub3A_224 = arith.constant 1.500000e+00 : f32
      %sub3A_225 = vector.broadcast %sub3A_224 : f32 to vector<16xf32>
      %sub3A_226 = arith.subf %sub3A_225, %mul3A_223 : vector<16xf32>
      %mul3A_227 = arith.mulf %mul3A_218, %sub3A_226 : vector<16xf32>
      %mul3A_228 = arith.constant 5.000000e-01 : f32
      %mul3A_229 = vector.broadcast %mul3A_228 : f32 to vector<16xf32>
      %mul3A_230 = arith.mulf %mul3A_229, %add3A_201 : vector<16xf32>
      %mul3A_231 = arith.mulf %mul3A_230, %mul3A_227 : vector<16xf32>
      %mul3A_232 = arith.mulf %mul3A_231, %mul3A_227 : vector<16xf32>
      %sub3A_233 = arith.constant 1.500000e+00 : f32
      %sub3A_234 = vector.broadcast %sub3A_233 : f32 to vector<16xf32>
      %sub3A_235 = arith.subf %sub3A_234, %mul3A_232 : vector<16xf32>
      %mul3A_236 = arith.mulf %mul3A_227, %sub3A_235 : vector<16xf32>
      %gt3A_237 = arith.constant 5.000000e-01 : f32
      %gt3A_238 = vector.broadcast %gt3A_237 : f32 to vector<16xf32>
      %gt3A_239 = arith.cmpf ogt, %add3A_201, %gt3A_238 : vector<16xf32>
      %jit3A_240 = arith.constant 0.000000e+00 : f32
      %broadcast_in_dim3A_241 = vector.broadcast %jit3A_240 : f32 to vector<16xf32>
      %select_n3A_242 = arith.select %gt3A_239, %mul3A_236, %broadcast_in_dim3A_241 : vector<16xi1>, vector<16xf32>
      %swap3A = arith.index_cast %mul3A_153 : i32 to index
      %swap3A_243 = tpu.vector_load %arg19[%swap3A] {strides = array<i32>} : memref<640xf32, #tpu.memory_space<vmem>>, vector<16xf32>,
      %swap3A_244 = vector.shape_cast %swap3A_243 : vector<16xf32> to vector<16xf32>
      %swap3A_245 = vector.shape_cast %select_n3A_242 : vector<16xf32> to vector<16xf32>
      tpu.vector_store %arg19[%swap3A], %swap3A_245 {strides = array<i32>} : memref<640xf32, #tpu.memory_space<vmem>>, vector<16xf32>,
      %get3A_246 = arith.index_cast %mul3A_153 : i32 to index
      %get3A_247 = tpu.vector_load %arg15[%get3A_246] {strides = array<i32>} : memref<640xf32, #tpu.memory_space<vmem>>, vector<16xf32>,
      %get3A_248 = vector.shape_cast %get3A_247 : vector<16xf32> to vector<16xf32>
      %mul3A_249 = arith.mulf %get3A_248, %select_n3A : vector<16xf32>
      %swap3A_250 = arith.index_cast %mul3A_153 : i32 to index
      %swap3A_251 = tpu.vector_load %arg17[%swap3A_250] {strides = array<i32>} : memref<640xf32, #tpu.memory_space<vmem>>, vector<16xf32>,
      %swap3A_252 = vector.shape_cast %swap3A_251 : vector<16xf32> to vector<16xf32>
      %swap3A_253 = vector.shape_cast %mul3A_249 : vector<16xf32> to vector<16xf32>
      tpu.vector_store %arg17[%swap3A_250], %swap3A_253 {strides = array<i32>} : memref<640xf32, #tpu.memory_space<vmem>>, vector<16xf32>,
      %get3A_254 = arith.index_cast %mul3A_153 : i32 to index
      %get3A_255 = tpu.vector_load %arg16[%get3A_254] {strides = array<i32>} : memref<640xf32, #tpu.memory_space<vmem>>, vector<16xf32>,
      %get3A_256 = vector.shape_cast %get3A_255 : vector<16xf32> to vector<16xf32>
      %mul3A_257 = arith.mulf %get3A_256, %select_n3A : vector<16xf32>
      %swap3A_258 = arith.index_cast %mul3A_153 : i32 to index
      %swap3A_259 = tpu.vector_load %arg18[%swap3A_258] {strides = array<i32>} : memref<640xf32, #tpu.memory_space<vmem>>, vector<16xf32>,
      %swap3A_260 = vector.shape_cast %swap3A_259 : vector<16xf32> to vector<16xf32>
      %swap3A_261 = vector.shape_cast %mul3A_257 : vector<16xf32> to vector<16xf32>
      tpu.vector_store %arg18[%swap3A_258], %swap3A_261 {strides = array<i32>} : memref<640xf32, #tpu.memory_space<vmem>>, vector<16xf32>,
    }
    %scan3A_84 = arith.constant 40 : i32
    %dma_start3A_85 = tpu.memref_slice %arg20[%mul3A_0] : memref<10240xf32, #tpu.memory_space<vmem_shared>> -> memref<640xf32, #tpu.memory_space<vmem_shared>>
    %dma_start3A_86 = tpu.memref_slice %arg20[%mul3A_0] : memref<10240xf32, #tpu.memory_space<vmem_shared>> -> memref<640xf32, #tpu.memory_space<vmem_shared>>
    tpu.enqueue_dma source(%arg17 : memref<640xf32, #tpu.memory_space<vmem>>) target(%dma_start3A_86 : memref<640xf32, #tpu.memory_space<vmem_shared>>) target_semaphore(%arg25 : memref<!tpu.dma_semaphore, #tpu.memory_space<semaphore_mem>>)
    %dma_start3A_87 = tpu.memref_slice %arg21[%mul3A_0] : memref<10240xf32, #tpu.memory_space<vmem_shared>> -> memref<640xf32, #tpu.memory_space<vmem_shared>>
    %dma_start3A_88 = tpu.memref_slice %arg21[%mul3A_0] : memref<10240xf32, #tpu.memory_space<vmem_shared>> -> memref<640xf32, #tpu.memory_space<vmem_shared>>
    tpu.enqueue_dma source(%arg18 : memref<640xf32, #tpu.memory_space<vmem>>) target(%dma_start3A_88 : memref<640xf32, #tpu.memory_space<vmem_shared>>) target_semaphore(%arg25 : memref<!tpu.dma_semaphore, #tpu.memory_space<semaphore_mem>>)
    %eq3A = arith.constant 0 : i32
    %eq3A_89 = arith.cmpi eq, %arg0, %eq3A : i32
    %convert_element_type3A = arith.extui %eq3A_89 : i1 to i32
    %cond3A = arith.constant 0 : i32
    %cond3A_90 = arith.cmpi ne, %convert_element_type3A, %cond3A : i32
    scf.if %cond3A_90 {
      %dma_start3A_151 = tpu.memref_slice %arg6[%mul3A_0] : memref<10240xf32, #tpu.memory_space<hbm>> -> memref<640xf32, #tpu.memory_space<hbm>>
      %dma_start3A_152 = tpu.memref_slice %arg6[%mul3A_0] : memref<10240xf32, #tpu.memory_space<hbm>> -> memref<640xf32, #tpu.memory_space<hbm>>
      tpu.enqueue_dma source(%arg19 : memref<640xf32, #tpu.memory_space<vmem>>) target(%dma_start3A_152 : memref<640xf32, #tpu.memory_space<hbm>>) target_semaphore(%arg28 : memref<!tpu.dma_semaphore, #tpu.memory_space<semaphore_mem>>)
    } else {
    }
    %scan3A_91 = arith.constant 0 : i32
    %scan3A_92 = arith.constant 0 : i32
    %scan3A_93 = arith.constant 40 : i32
    %scan3A_94 = arith.addi %scan3A_92, %scan3A_93 : i32
    %scan3A_95 = arith.constant 1 : i32
    scf.for %scan3A_151 = %scan3A_92 to %scan3A_94 step %scan3A_95  : i32 {
      %mul3A_152 = arith.constant 16 : i32
      %mul3A_153 = arith.muli %scan3A_151, %mul3A_152 : i32
      %swap3A = arith.index_cast %mul3A_153 : i32 to index
      %swap3A_154 = tpu.vector_load %arg11[%swap3A] {strides = array<i32>} : memref<640xf32, #tpu.memory_space<vmem>>, vector<16xf32>,
      %swap3A_155 = vector.shape_cast %swap3A_154 : vector<16xf32> to vector<16xf32>
      %swap3A_156 = vector.shape_cast %broadcast_in_dim3A_79 : vector<16xf32> to vector<16xf32>
      tpu.vector_store %arg11[%swap3A], %swap3A_156 {strides = array<i32>} : memref<640xf32, #tpu.memory_space<vmem>>, vector<16xf32>,
    }
    %scan3A_96 = arith.constant 40 : i32
    %dma_start3A_97 = tpu.memref_slice %arg22[%mul3A_0] : memref<10240xf32, #tpu.memory_space<vmem_shared>> -> memref<640xf32, #tpu.memory_space<vmem_shared>>
    %dma_start3A_98 = tpu.memref_slice %arg22[%mul3A_0] : memref<10240xf32, #tpu.memory_space<vmem_shared>> -> memref<640xf32, #tpu.memory_space<vmem_shared>>
    tpu.enqueue_dma source(%arg11 : memref<640xf32, #tpu.memory_space<vmem>>) target(%dma_start3A_98 : memref<640xf32, #tpu.memory_space<vmem_shared>>) target_semaphore(%arg25 : memref<!tpu.dma_semaphore, #tpu.memory_space<semaphore_mem>>)
    %dma_start3A_99 = tpu.memref_slice %arg23[%mul3A_0] : memref<10240xf32, #tpu.memory_space<vmem_shared>> -> memref<640xf32, #tpu.memory_space<vmem_shared>>
    %dma_start3A_100 = tpu.memref_slice %arg23[%mul3A_0] : memref<10240xf32, #tpu.memory_space<vmem_shared>> -> memref<640xf32, #tpu.memory_space<vmem_shared>>
    tpu.enqueue_dma source(%arg11 : memref<640xf32, #tpu.memory_space<vmem>>) target(%dma_start3A_100 : memref<640xf32, #tpu.memory_space<vmem_shared>>) target_semaphore(%arg25 : memref<!tpu.dma_semaphore, #tpu.memory_space<semaphore_mem>>)
    %dma_wait3A_101 = tpu.memref_slice %arg4[%mul3A_4] : memref<640000xi32, #tpu.memory_space<hbm>> -> memref<10000xi32, #tpu.memory_space<hbm>>
    %dma_wait3A_102 = tpu.memref_slice %arg4[%mul3A_4] : memref<640000xi32, #tpu.memory_space<hbm>> -> memref<10000xi32, #tpu.memory_space<hbm>>
    tpu.wait_dma2 semaphore(%arg24 : memref<!tpu.dma_semaphore, #tpu.memory_space<semaphore_mem>>) src(%dma_wait3A_102 : memref<10000xi32, #tpu.memory_space<hbm>>) dst(%arg7 : memref<10000xi32, #tpu.memory_space<vmem>>)
    %dma_wait3A_103 = tpu.memref_slice %arg4[%add3A_9] : memref<640000xi32, #tpu.memory_space<hbm>> -> memref<10000xi32, #tpu.memory_space<hbm>>
    %dma_wait3A_104 = tpu.memref_slice %arg4[%add3A_9] : memref<640000xi32, #tpu.memory_space<hbm>> -> memref<10000xi32, #tpu.memory_space<hbm>>
    tpu.wait_dma2 semaphore(%arg24 : memref<!tpu.dma_semaphore, #tpu.memory_space<semaphore_mem>>) src(%dma_wait3A_104 : memref<10000xi32, #tpu.memory_space<hbm>>) dst(%arg8 : memref<10000xi32, #tpu.memory_space<vmem>>)
    %dma_wait3A_105 = tpu.memref_slice %arg20[%mul3A_0] : memref<10240xf32, #tpu.memory_space<vmem_shared>> -> memref<640xf32, #tpu.memory_space<vmem_shared>>
    %dma_wait3A_106 = tpu.memref_slice %arg20[%mul3A_0] : memref<10240xf32, #tpu.memory_space<vmem_shared>> -> memref<640xf32, #tpu.memory_space<vmem_shared>>
    tpu.wait_dma2 semaphore(%arg25 : memref<!tpu.dma_semaphore, #tpu.memory_space<semaphore_mem>>) src(%arg17 : memref<640xf32, #tpu.memory_space<vmem>>) dst(%dma_wait3A_106 : memref<640xf32, #tpu.memory_space<vmem_shared>>)
    %dma_wait3A_107 = tpu.memref_slice %arg21[%mul3A_0] : memref<10240xf32, #tpu.memory_space<vmem_shared>> -> memref<640xf32, #tpu.memory_space<vmem_shared>>
    %dma_wait3A_108 = tpu.memref_slice %arg21[%mul3A_0] : memref<10240xf32, #tpu.memory_space<vmem_shared>> -> memref<640xf32, #tpu.memory_space<vmem_shared>>
    tpu.wait_dma2 semaphore(%arg25 : memref<!tpu.dma_semaphore, #tpu.memory_space<semaphore_mem>>) src(%arg18 : memref<640xf32, #tpu.memory_space<vmem>>) dst(%dma_wait3A_108 : memref<640xf32, #tpu.memory_space<vmem_shared>>)
    %dma_wait3A_109 = tpu.memref_slice %arg22[%mul3A_0] : memref<10240xf32, #tpu.memory_space<vmem_shared>> -> memref<640xf32, #tpu.memory_space<vmem_shared>>
    %dma_wait3A_110 = tpu.memref_slice %arg22[%mul3A_0] : memref<10240xf32, #tpu.memory_space<vmem_shared>> -> memref<640xf32, #tpu.memory_space<vmem_shared>>
    tpu.wait_dma2 semaphore(%arg25 : memref<!tpu.dma_semaphore, #tpu.memory_space<semaphore_mem>>) src(%arg11 : memref<640xf32, #tpu.memory_space<vmem>>) dst(%dma_wait3A_110 : memref<640xf32, #tpu.memory_space<vmem_shared>>)
    %dma_wait3A_111 = tpu.memref_slice %arg23[%mul3A_0] : memref<10240xf32, #tpu.memory_space<vmem_shared>> -> memref<640xf32, #tpu.memory_space<vmem_shared>>
    %dma_wait3A_112 = tpu.memref_slice %arg23[%mul3A_0] : memref<10240xf32, #tpu.memory_space<vmem_shared>> -> memref<640xf32, #tpu.memory_space<vmem_shared>>
    tpu.wait_dma2 semaphore(%arg25 : memref<!tpu.dma_semaphore, #tpu.memory_space<semaphore_mem>>) src(%arg11 : memref<640xf32, #tpu.memory_space<vmem>>) dst(%dma_wait3A_112 : memref<640xf32, #tpu.memory_space<vmem_shared>>)
    %barrier3A = arith.constant 0 : index
    tpu.barrier barrier_id(%barrier3A)
    %dma_start3A_113 = arith.constant 0 : i32
    %dma_start3A_114 = tpu.memref_slice %arg20[%dma_start3A_113] : memref<10240xf32, #tpu.memory_space<vmem_shared>> -> memref<10240xf32, #tpu.memory_space<vmem_shared>>
    tpu.enqueue_indirect_dma source(%dma_start3A_114 : memref<10240xf32, #tpu.memory_space<vmem_shared>>) target(%arg9 : memref<10000xf32, #tpu.memory_space<vmem>>) offsets(%arg7 : memref<10000xi32, #tpu.memory_space<vmem>>) semaphore(%arg24 : memref<!tpu.dma_semaphore, #tpu.memory_space<semaphore_mem>>)
    %dma_start3A_115 = arith.constant 0 : i32
    %dma_start3A_116 = tpu.memref_slice %arg21[%dma_start3A_115] : memref<10240xf32, #tpu.memory_space<vmem_shared>> -> memref<10240xf32, #tpu.memory_space<vmem_shared>>
    tpu.enqueue_indirect_dma source(%dma_start3A_116 : memref<10240xf32, #tpu.memory_space<vmem_shared>>) target(%arg10 : memref<10000xf32, #tpu.memory_space<vmem>>) offsets(%arg7 : memref<10000xi32, #tpu.memory_space<vmem>>) semaphore(%arg25 : memref<!tpu.dma_semaphore, #tpu.memory_space<semaphore_mem>>)
    %dma_wait3A_117 = arith.constant 0 : i32
    %dma_wait3A_118 = tpu.memref_slice %arg20[%dma_wait3A_117] : memref<10240xf32, #tpu.memory_space<vmem_shared>> -> memref<10240xf32, #tpu.memory_space<vmem_shared>>
    tpu.wait_indirect_dma semaphore(%arg24 : memref<!tpu.dma_semaphore, #tpu.memory_space<semaphore_mem>>) src(%dma_wait3A_118 : memref<10240xf32, #tpu.memory_space<vmem_shared>>) dst(%arg9 : memref<10000xf32, #tpu.memory_space<vmem>>)
    %dma_start3A_119 = arith.constant 0 : i32
    %dma_start3A_120 = tpu.memref_slice %arg22[%dma_start3A_119] : memref<10240xf32, #tpu.memory_space<vmem_shared>> -> memref<10240xf32, #tpu.memory_space<vmem_shared>>
    tpu.enqueue_indirect_dma source(%arg9 : memref<10000xf32, #tpu.memory_space<vmem>>) target(%dma_start3A_120 : memref<10240xf32, #tpu.memory_space<vmem_shared>>) offsets(%arg8 : memref<10000xi32, #tpu.memory_space<vmem>>) semaphore(%arg26 : memref<!tpu.dma_semaphore, #tpu.memory_space<semaphore_mem>>) {add = true}
    %dma_wait3A_121 = arith.constant 0 : i32
    %dma_wait3A_122 = tpu.memref_slice %arg21[%dma_wait3A_121] : memref<10240xf32, #tpu.memory_space<vmem_shared>> -> memref<10240xf32, #tpu.memory_space<vmem_shared>>
    tpu.wait_indirect_dma semaphore(%arg25 : memref<!tpu.dma_semaphore, #tpu.memory_space<semaphore_mem>>) src(%dma_wait3A_122 : memref<10240xf32, #tpu.memory_space<vmem_shared>>) dst(%arg10 : memref<10000xf32, #tpu.memory_space<vmem>>)
    %dma_start3A_123 = arith.constant 0 : i32
    %dma_start3A_124 = tpu.memref_slice %arg23[%dma_start3A_123] : memref<10240xf32, #tpu.memory_space<vmem_shared>> -> memref<10240xf32, #tpu.memory_space<vmem_shared>>
    tpu.enqueue_indirect_dma source(%arg10 : memref<10000xf32, #tpu.memory_space<vmem>>) target(%dma_start3A_124 : memref<10240xf32, #tpu.memory_space<vmem_shared>>) offsets(%arg8 : memref<10000xi32, #tpu.memory_space<vmem>>) semaphore(%arg27 : memref<!tpu.dma_semaphore, #tpu.memory_space<semaphore_mem>>) {add = true}
    %dma_wait3A_125 = arith.constant 0 : i32
    %dma_wait3A_126 = tpu.memref_slice %arg22[%dma_wait3A_125] : memref<10240xf32, #tpu.memory_space<vmem_shared>> -> memref<10240xf32, #tpu.memory_space<vmem_shared>>
    tpu.wait_indirect_dma semaphore(%arg26 : memref<!tpu.dma_semaphore, #tpu.memory_space<semaphore_mem>>) src(%arg9 : memref<10000xf32, #tpu.memory_space<vmem>>) dst(%dma_wait3A_126 : memref<10240xf32, #tpu.memory_space<vmem_shared>>)
    %dma_wait3A_127 = arith.constant 0 : i32
    %dma_wait3A_128 = tpu.memref_slice %arg23[%dma_wait3A_127] : memref<10240xf32, #tpu.memory_space<vmem_shared>> -> memref<10240xf32, #tpu.memory_space<vmem_shared>>
    tpu.wait_indirect_dma semaphore(%arg27 : memref<!tpu.dma_semaphore, #tpu.memory_space<semaphore_mem>>) src(%arg10 : memref<10000xf32, #tpu.memory_space<vmem>>) dst(%dma_wait3A_128 : memref<10240xf32, #tpu.memory_space<vmem_shared>>)
    %barrier3A_129 = arith.constant 0 : index
    tpu.barrier barrier_id(%barrier3A_129)
    %dma_start3A_130 = arith.constant 0 : i32
    %dma_start3A_131 = tpu.memref_slice %arg5[%arg0, %dma_start3A_130, %mul3A_0] : memref<2x2x10240xf32, #tpu.memory_space<hbm>> -> memref<1x1x640xf32, #tpu.memory_space<hbm>>
    %dma_start3A_132 = tpu.memref_squeeze %dma_start3A_131 : memref<1x1x640xf32, #tpu.memory_space<hbm>> -> memref<640xf32, #tpu.memory_space<hbm>>
    %dma_start3A_133 = tpu.memref_slice %arg22[%mul3A_0] : memref<10240xf32, #tpu.memory_space<vmem_shared>> -> memref<640xf32, #tpu.memory_space<vmem_shared>>
    tpu.enqueue_dma source(%dma_start3A_133 : memref<640xf32, #tpu.memory_space<vmem_shared>>) target(%dma_start3A_132 : memref<640xf32, #tpu.memory_space<hbm>>) target_semaphore(%arg24 : memref<!tpu.dma_semaphore, #tpu.memory_space<semaphore_mem>>)
    %dma_start3A_134 = arith.constant 1 : i32
    %dma_start3A_135 = tpu.memref_slice %arg5[%arg0, %dma_start3A_134, %mul3A_0] : memref<2x2x10240xf32, #tpu.memory_space<hbm>> -> memref<1x1x640xf32, #tpu.memory_space<hbm>>
    %dma_start3A_136 = tpu.memref_squeeze %dma_start3A_135 : memref<1x1x640xf32, #tpu.memory_space<hbm>> -> memref<640xf32, #tpu.memory_space<hbm>>
    %dma_start3A_137 = tpu.memref_slice %arg23[%mul3A_0] : memref<10240xf32, #tpu.memory_space<vmem_shared>> -> memref<640xf32, #tpu.memory_space<vmem_shared>>
    tpu.enqueue_dma source(%dma_start3A_137 : memref<640xf32, #tpu.memory_space<vmem_shared>>) target(%dma_start3A_136 : memref<640xf32, #tpu.memory_space<hbm>>) target_semaphore(%arg25 : memref<!tpu.dma_semaphore, #tpu.memory_space<semaphore_mem>>)
    %dma_wait3A_138 = arith.constant 0 : i32
    %dma_wait3A_139 = tpu.memref_slice %arg5[%arg0, %dma_wait3A_138, %mul3A_0] : memref<2x2x10240xf32, #tpu.memory_space<hbm>> -> memref<1x1x640xf32, #tpu.memory_space<hbm>>
    %dma_wait3A_140 = tpu.memref_squeeze %dma_wait3A_139 : memref<1x1x640xf32, #tpu.memory_space<hbm>> -> memref<640xf32, #tpu.memory_space<hbm>>
    %dma_wait3A_141 = tpu.memref_slice %arg22[%mul3A_0] : memref<10240xf32, #tpu.memory_space<vmem_shared>> -> memref<640xf32, #tpu.memory_space<vmem_shared>>
    tpu.wait_dma2 semaphore(%arg24 : memref<!tpu.dma_semaphore, #tpu.memory_space<semaphore_mem>>) src(%dma_wait3A_141 : memref<640xf32, #tpu.memory_space<vmem_shared>>) dst(%dma_wait3A_140 : memref<640xf32, #tpu.memory_space<hbm>>)
    %dma_wait3A_142 = arith.constant 1 : i32
    %dma_wait3A_143 = tpu.memref_slice %arg5[%arg0, %dma_wait3A_142, %mul3A_0] : memref<2x2x10240xf32, #tpu.memory_space<hbm>> -> memref<1x1x640xf32, #tpu.memory_space<hbm>>
    %dma_wait3A_144 = tpu.memref_squeeze %dma_wait3A_143 : memref<1x1x640xf32, #tpu.memory_space<hbm>> -> memref<640xf32, #tpu.memory_space<hbm>>
    %dma_wait3A_145 = tpu.memref_slice %arg23[%mul3A_0] : memref<10240xf32, #tpu.memory_space<vmem_shared>> -> memref<640xf32, #tpu.memory_space<vmem_shared>>
    tpu.wait_dma2 semaphore(%arg25 : memref<!tpu.dma_semaphore, #tpu.memory_space<semaphore_mem>>) src(%dma_wait3A_145 : memref<640xf32, #tpu.memory_space<vmem_shared>>) dst(%dma_wait3A_144 : memref<640xf32, #tpu.memory_space<hbm>>)
    %eq3A_146 = arith.constant 0 : i32
    %eq3A_147 = arith.cmpi eq, %arg0, %eq3A_146 : i32
    %convert_element_type3A_148 = arith.extui %eq3A_147 : i1 to i32
    %cond3A_149 = arith.constant 0 : i32
    %cond3A_150 = arith.cmpi ne, %convert_element_type3A_148, %cond3A_149 : i32
    scf.if %cond3A_150 {
      %dma_wait3A_151 = tpu.memref_slice %arg6[%mul3A_0] : memref<10240xf32, #tpu.memory_space<hbm>> -> memref<640xf32, #tpu.memory_space<hbm>>
      %dma_wait3A_152 = tpu.memref_slice %arg6[%mul3A_0] : memref<10240xf32, #tpu.memory_space<hbm>> -> memref<640xf32, #tpu.memory_space<hbm>>
      tpu.wait_dma2 semaphore(%arg28 : memref<!tpu.dma_semaphore, #tpu.memory_space<semaphore_mem>>) src(%arg19 : memref<640xf32, #tpu.memory_space<vmem>>) dst(%dma_wait3A_152 : memref<640xf32, #tpu.memory_space<hbm>>)
    } else {
    }
    return
  }
}

module attributes {stable_mosaic.version = 14 : i64} {
  func.func @_fin_body(%arg0: memref<2x2x10240xf32, #tpu.memory_space<vmem>>, %arg1: memref<10240xf32, #tpu.memory_space<vmem>>, %arg2: memref<1x128xf32, #tpu.memory_space<vmem>>, %arg3: memref<1x128xf32, #tpu.memory_space<vmem>>, %arg4: memref<1x1xf32, #tpu.memory_space<vmem>>, %arg5: memref<1x128xf32, #tpu.memory_space<vmem>>, %arg6: memref<1x128xf32, #tpu.memory_space<vmem>>, %arg7: memref<1x1xf32, #tpu.memory_space<vmem>>, %arg8: memref<2x10240xf32, #tpu.memory_space<vmem>>) attributes {dimension_semantics = [], scalar_prefetch = 0 : i64, scratch_operands = 0 : i64, tpu.core_type = #tpu.core_type<tc>} {
    %get3A = arith.constant 0 : index
    %get3A_0 = arith.constant 0 : index
    %get3A_1 = vector.load %arg2[%get3A, %get3A_0] : memref<1x128xf32, #tpu.memory_space<vmem>>, vector<1x128xf32>
    %get3A_2 = vector.shape_cast %get3A_1 : vector<1x128xf32> to vector<128xf32>
    %get3A_3 = arith.constant 0 : index
    %get3A_4 = arith.constant 0 : index
    %get3A_5 = vector.load %arg3[%get3A_3, %get3A_4] : memref<1x128xf32, #tpu.memory_space<vmem>>, vector<1x128xf32>
    %get3A_6 = vector.shape_cast %get3A_5 : vector<1x128xf32> to vector<128xf32>
    %mul3A = arith.mulf %get3A_2, %get3A_6 : vector<128xf32>
    %reduce_sum3A = vector.shape_cast %mul3A : vector<128xf32> to vector<1x128xf32>
    %reduce_sum3A_7 = arith.constant dense<0.000000e+00> : vector<1xf32>
    %reduce_sum3A_8 = vector.multi_reduction <add>, %reduce_sum3A, %reduce_sum3A_7 [1] : vector<1x128xf32> to vector<1xf32>
    %reduce_sum3A_9 = vector.shape_cast %reduce_sum3A_8 : vector<1xf32> to vector<1x1xf32>
    %reduce_sum3A_10 = vector.extract %reduce_sum3A_9[0, 0] : f32 from vector<1x1xf32>
    %get3A_11 = arith.constant 0 : index
    %get3A_12 = arith.constant 0 : index
    %get3A_13 = vector.load %arg4[%get3A_11, %get3A_12] : memref<1x1xf32, #tpu.memory_space<vmem>>, vector<1x1xf32>
    %get3A_14 = vector.extract %get3A_13[0, 0] : f32 from vector<1x1xf32>
    %add3A = arith.addf %reduce_sum3A_10, %get3A_14 : f32
    %get3A_15 = arith.constant 0 : index
    %get3A_16 = arith.constant 0 : index
    %get3A_17 = vector.load %arg5[%get3A_15, %get3A_16] : memref<1x128xf32, #tpu.memory_space<vmem>>, vector<1x128xf32>
    %get3A_18 = vector.shape_cast %get3A_17 : vector<1x128xf32> to vector<128xf32>
    %get3A_19 = arith.constant 0 : index
    %get3A_20 = arith.constant 0 : index
    %get3A_21 = vector.load %arg6[%get3A_19, %get3A_20] : memref<1x128xf32, #tpu.memory_space<vmem>>, vector<1x128xf32>
    %get3A_22 = vector.shape_cast %get3A_21 : vector<1x128xf32> to vector<128xf32>
    %mul3A_23 = arith.mulf %get3A_18, %get3A_22 : vector<128xf32>
    %reduce_sum3A_24 = vector.shape_cast %mul3A_23 : vector<128xf32> to vector<1x128xf32>
    %reduce_sum3A_25 = arith.constant dense<0.000000e+00> : vector<1xf32>
    %reduce_sum3A_26 = vector.multi_reduction <add>, %reduce_sum3A_24, %reduce_sum3A_25 [1] : vector<1x128xf32> to vector<1xf32>
    %reduce_sum3A_27 = vector.shape_cast %reduce_sum3A_26 : vector<1xf32> to vector<1x1xf32>
    %reduce_sum3A_28 = vector.extract %reduce_sum3A_27[0, 0] : f32 from vector<1x1xf32>
    %get3A_29 = arith.constant 0 : index
    %get3A_30 = arith.constant 0 : index
    %get3A_31 = vector.load %arg7[%get3A_29, %get3A_30] : memref<1x1xf32, #tpu.memory_space<vmem>>, vector<1x1xf32>
    %get3A_32 = vector.extract %get3A_31[0, 0] : f32 from vector<1x1xf32>
    %add3A_33 = arith.addf %reduce_sum3A_28, %get3A_32 : f32
    %get3A_34 = arith.constant 0 : index
    %get3A_35 = vector.load %arg1[%get3A_34] : memref<10240xf32, #tpu.memory_space<vmem>>, vector<10240xf32>
    %get3A_36 = arith.constant 0 : index
    %get3A_37 = arith.constant 0 : index
    %get3A_38 = arith.constant 0 : index
    %get3A_39 = vector.load %arg0[%get3A_36, %get3A_37, %get3A_38] : memref<2x2x10240xf32, #tpu.memory_space<vmem>>, vector<1x1x10240xf32>
    %get3A_40 = vector.shape_cast %get3A_39 : vector<1x1x10240xf32> to vector<10240xf32>
    %get3A_41 = arith.constant 1 : index
    %get3A_42 = arith.constant 0 : index
    %get3A_43 = arith.constant 0 : index
    %get3A_44 = vector.load %arg0[%get3A_41, %get3A_42, %get3A_43] : memref<2x2x10240xf32, #tpu.memory_space<vmem>>, vector<1x1x10240xf32>
    %get3A_45 = vector.shape_cast %get3A_44 : vector<1x1x10240xf32> to vector<10240xf32>
    %add3A_46 = arith.addf %get3A_40, %get3A_45 : vector<10240xf32>
    %mul3A_47 = arith.mulf %add3A_46, %get3A_35 : vector<10240xf32>
    %add3A_48 = vector.broadcast %add3A : f32 to vector<10240xf32>
    %add3A_49 = arith.addf %mul3A_47, %add3A_48 : vector<10240xf32>
    %get3A_50 = arith.constant 0 : index
    %get3A_51 = arith.constant 1 : index
    %get3A_52 = arith.constant 0 : index
    %get3A_53 = vector.load %arg0[%get3A_50, %get3A_51, %get3A_52] : memref<2x2x10240xf32, #tpu.memory_space<vmem>>, vector<1x1x10240xf32>
    %get3A_54 = vector.shape_cast %get3A_53 : vector<1x1x10240xf32> to vector<10240xf32>
    %get3A_55 = arith.constant 1 : index
    %get3A_56 = arith.constant 1 : index
    %get3A_57 = arith.constant 0 : index
    %get3A_58 = vector.load %arg0[%get3A_55, %get3A_56, %get3A_57] : memref<2x2x10240xf32, #tpu.memory_space<vmem>>, vector<1x1x10240xf32>
    %get3A_59 = vector.shape_cast %get3A_58 : vector<1x1x10240xf32> to vector<10240xf32>
    %add3A_60 = arith.addf %get3A_54, %get3A_59 : vector<10240xf32>
    %mul3A_61 = arith.mulf %add3A_60, %get3A_35 : vector<10240xf32>
    %add3A_62 = vector.broadcast %add3A_33 : f32 to vector<10240xf32>
    %add3A_63 = arith.addf %mul3A_61, %add3A_62 : vector<10240xf32>
    %stack3A = vector.shape_cast %add3A_49 : vector<10240xf32> to vector<1x10240xf32>
    %stack3A_64 = vector.shape_cast %add3A_63 : vector<10240xf32> to vector<1x10240xf32>
    %stack3A_65 = tpu.concatenate %stack3A, %stack3A_64 in 0 : vector<1x10240xf32>, vector<1x10240xf32> -> vector<2x10240xf32>
    %swap3A = arith.constant 0 : index
    %swap3A_66 = arith.constant 0 : index
    %swap3A_67 = vector.load %arg8[%swap3A, %swap3A_66] : memref<2x10240xf32, #tpu.memory_space<vmem>>, vector<2x10240xf32>
    tpu.vector_store %arg8[%swap3A, %swap3A_66], %stack3A_65 {strides = array<i32>} : memref<2x10240xf32, #tpu.memory_space<vmem>>, vector<2x10240xf32>,
    return
  }
}

module attributes {stable_mosaic.version = 14 : i64} {
  func.func @_u_body(%arg0: i32, %arg1: memref<2048x128xf32, #tpu.memory_space<vmem>>, %arg2: memref<128x128xf32, #tpu.memory_space<vmem>>, %arg3: memref<1x128xf32, #tpu.memory_space<vmem>>, %arg4: memref<128x128xf32, #tpu.memory_space<vmem>>, %arg5: memref<1x128xf32, #tpu.memory_space<vmem>>, %arg6: memref<2x2048xf32, #tpu.memory_space<vmem>>) attributes {dimension_semantics = [#tpu.dimension_semantics<arbitrary>], iteration_bounds = array<i64: 5>, scalar_prefetch = 0 : i64, scratch_operands = 0 : i64, tpu.core_type = #tpu.core_type<tc>, window_params = [{transform_indices = @transform_0, window_bounds = array<i64: 2048, 128>}, {pipeline_mode = #tpu.pipeline_mode<synchronous>, transform_indices = @transform_1, window_bounds = array<i64: 128, 128>}, {pipeline_mode = #tpu.pipeline_mode<synchronous>, transform_indices = @transform_2, window_bounds = array<i64: 1, 128>}, {pipeline_mode = #tpu.pipeline_mode<synchronous>, transform_indices = @transform_3, window_bounds = array<i64: 128, 128>}, {pipeline_mode = #tpu.pipeline_mode<synchronous>, transform_indices = @transform_4, window_bounds = array<i64: 1, 128>}, {transform_indices = @transform_5, window_bounds = array<i64: 2, 2048>}]} {
    %get3A = arith.constant 0 : index
    %get3A_0 = arith.constant 0 : index
    %get3A_1 = vector.load %arg3[%get3A, %get3A_0] : memref<1x128xf32, #tpu.memory_space<vmem>>, vector<1x128xf32>
    %get3A_2 = arith.constant 0 : index
    %get3A_3 = arith.constant 0 : index
    %get3A_4 = vector.load %arg2[%get3A_2, %get3A_3] : memref<128x128xf32, #tpu.memory_space<vmem>>, vector<128x128xf32>
    %dot_general3A = arith.constant dense<0.000000e+00> : vector<1x128xf32>
    %dot_general3A_5 = tpu.matmul %get3A_1, %get3A_4, %dot_general3A {dimension_numbers = #tpu.dot_dimension_numbers<[1], [1], [0], [0], [0, 0, 1, 0], [], []>, precision = #tpu.contract_precision<fp32>, transpose_lhs_hint = false} : vector<1x128xf32>, vector<128x128xf32>, vector<1x128xf32> -> vector<1x128xf32>
    %get3A_6 = arith.constant 0 : index
    %get3A_7 = arith.constant 0 : index
    %get3A_8 = vector.load %arg5[%get3A_6, %get3A_7] : memref<1x128xf32, #tpu.memory_space<vmem>>, vector<1x128xf32>
    %get3A_9 = arith.constant 0 : index
    %get3A_10 = arith.constant 0 : index
    %get3A_11 = vector.load %arg4[%get3A_9, %get3A_10] : memref<128x128xf32, #tpu.memory_space<vmem>>, vector<128x128xf32>
    %dot_general3A_12 = arith.constant dense<0.000000e+00> : vector<1x128xf32>
    %dot_general3A_13 = tpu.matmul %get3A_8, %get3A_11, %dot_general3A_12 {dimension_numbers = #tpu.dot_dimension_numbers<[1], [1], [0], [0], [0, 0, 1, 0], [], []>, precision = #tpu.contract_precision<fp32>, transpose_lhs_hint = false} : vector<1x128xf32>, vector<128x128xf32>, vector<1x128xf32> -> vector<1x128xf32>
    %concatenate3A = tpu.concatenate %dot_general3A_5, %dot_general3A_13 in 0 : vector<1x128xf32>, vector<1x128xf32> -> vector<2x128xf32>
    %get3A_14 = arith.constant 0 : index
    %get3A_15 = arith.constant 0 : index
    %get3A_16 = vector.load %arg1[%get3A_14, %get3A_15] : memref<2048x128xf32, #tpu.memory_space<vmem>>, vector<2048x128xf32>
    %dot_general3A_17 = arith.constant dense<0.000000e+00> : vector<2x2048xf32>
    %dot_general3A_18 = tpu.matmul %concatenate3A, %get3A_16, %dot_general3A_17 {dimension_numbers = #tpu.dot_dimension_numbers<[1], [1], [0], [0], [0, 0, 1, 0], [], []>, precision = #tpu.contract_precision<fp32>, transpose_lhs_hint = false} : vector<2x128xf32>, vector<2048x128xf32>, vector<2x2048xf32> -> vector<2x2048xf32>
    %swap3A = arith.constant 0 : index
    %swap3A_19 = arith.constant 0 : index
    %swap3A_20 = vector.load %arg6[%swap3A, %swap3A_19] : memref<2x2048xf32, #tpu.memory_space<vmem>>, vector<2x2048xf32>
    tpu.vector_store %arg6[%swap3A, %swap3A_19], %dot_general3A_18 {strides = array<i32>} : memref<2x2048xf32, #tpu.memory_space<vmem>>, vector<2x2048xf32>,
    return
  }
  func.func @transform_0(%arg0: i32) -> (i32, i32) {
    %c0_i32 = arith.constant 0 : i32
    %c0_i32_0 = arith.constant 0 : i32
    return %arg0, %c0_i32 : i32, i32
  }
  func.func @transform_1(%arg0: i32) -> (i32, i32) {
    %c0_i32 = arith.constant 0 : i32
    %c0_i32_0 = arith.constant 0 : i32
    %c0_i32_1 = arith.constant 0 : i32
    return %c0_i32, %c0_i32_0 : i32, i32
  }
  func.func @transform_2(%arg0: i32) -> (i32, i32) {
    %c0_i32 = arith.constant 0 : i32
    %c0_i32_0 = arith.constant 0 : i32
    %c0_i32_1 = arith.constant 0 : i32
    return %c0_i32, %c0_i32_0 : i32, i32
  }
  func.func @transform_3(%arg0: i32) -> (i32, i32) {
    %c0_i32 = arith.constant 0 : i32
    %c0_i32_0 = arith.constant 0 : i32
    %c0_i32_1 = arith.constant 0 : i32
    return %c0_i32, %c0_i32_0 : i32, i32
  }
  func.func @transform_4(%arg0: i32) -> (i32, i32) {
    %c0_i32 = arith.constant 0 : i32
    %c0_i32_0 = arith.constant 0 : i32
    %c0_i32_1 = arith.constant 0 : i32
    return %c0_i32, %c0_i32_0 : i32, i32
  }
  func.func @transform_5(%arg0: i32) -> (i32, i32) {
    %c0_i32 = arith.constant 0 : i32
    %c0_i32_0 = arith.constant 0 : i32
    return %c0_i32, %arg0 : i32, i32
  }
}

</mosaic_0001>

<sc_bundles>
// kernel: kernel.6.cloned.1.call-start
scs
__scs_entry_jumppad:
0x0: {  	(pc) =	sbr.rel $0x88, $3  }
0x1: {  	(tag) =	ssettag $0x0;
	lr =	simm.s32 $0x1  }
0x2: {  	[smem:$0x3F97] =	sst lr;
	_ =	strace $0xD0000000  }
0x3: {  	_ = 	snop  }
0x4: {  	_ = 	snop  }
0x5: {  	_ = 	snop  }
0x6: {  	_ = 	snop  }
0x7: {  	_ = 	snop  }
__scs_overlays_trampoline_lowered:
0x8: {  	[smem:$0x3FA6] =	sst s0  }
0x9: {  	[smem:$0x3FA7] =	sst s1  }
0xa: {  	[smem:$0x3FA8] =	sst s2  }
0xb: {  	[smem:$0x3FA9] =	sst s3  }
0xc: {  	[smem:$0x3FAA] =	sst s4  }
0xd: {  	[smem:$0x3FAB] =	sst s5  }
0xe: {  	[smem:$0x3FAC] =	sst s6  }
0xf: {  	[smem:$0x3FAD] =	sst s7  }
0x10: {  	[smem:$0x3FAE] =	sst s8  }
0x11: {  	[smem:$0x3FAF] =	sst s9;
	s0 =	simm.s32 @!p0 $0x0  }
0x12: {  	s1 =	sld [smem:$0x3F95];
	s0 =	simm.s32 @p0 $0x1  }
0x13: {  	[smem:$0x3FB0] =	sst s0;
	s0 =	simm.s32 @!p1 $0x0  }
0x14: {  	s2 =	sld [smem:$0x3F94];
	s0 =	simm.s32 @p1 $0x1  }
0x15: {  	[smem:$0x3FB1] =	sst s0;
	s0 =	simm.s32 @!p2 $0x0  }
0x16: {  	s3 =	sld [smem:$0x3FDB];
	s0 =	simm.s32 @p2 $0x1  }
0x17: {  	s4 =	simm.s32 $0x1BF5;
	[smem:$0x3FB3] =	sst s0  }
0x18: {  	s0 =	sld [smem:$0x3F96];
	_ =	swait.ge [sflag:s4], $0x0  }
0x19: {  	s7 =	sld [smem:$0x3F97]  }
0x1a: {  	s8 =	sadd.s32 $0xFFFFE003, lr  }
0x1b: {  	s9 =	sadd.s32 $0xFFFFFEF7, lr;
	s5 =	simm.s32 $0xFFFFFFFF;
	p2 =	slt.u32 s8, $0xFFFFF086  }
0x1c: {  	p1 =	slt.u32 s9, $0xF7A;
	s5 =	simm.s32 @!p2 $0x0  }
0x1d: {  	s5 =	simm.s32 @p1 $0x1;
	p0 =	seq.s32 s7, s2  }
0x1e: {  	s7 =	smul.u32 @!p0 $0xF7A, s2;
	p2 =	seq.s32 @!p0 s5, $0x0  }
0x1f: {  	s9 =	smul.u32 $0xF7A, s1;
	s8 =	simm.s32 @!p0 $0x1BF5;
	p2 =	por !p2, p0  }
0x20: {  	[sflag:s8] =	ssyncset.s32 @!p0 $0xFFFFF086;
	s6 =	sadd.s32 @!p0 s3, s7;
	s7 =	simm.s32 @!p0 $0x108  }
0x21: {  	s3 =	sadd.s32 s3, s9;
	s6 =	sadd.s32 @!p0 $0x88, s6;
	s7 =	simm.s32 @p2 $0x1082  }
0x22: {  	[simem:s7], [sflag:s8] =	dma.local @!p0 [hbm:s6], $0xF7A  }
0x23: {  	s9 =	sor.u32 $0xD0000000, s2;
	s6 =	simm.s32 $0x108;
	_ =	swait.ge @!p0 [sflag:s8], $0x0  }
0x24: {  	s3 =	sadd.s32 $0x88, s3;
	s6 =	simm.s32 @!p1 $0x1082;
	[sflag:s4] =	ssyncset.s32 $0xFFFFF086  }
0x25: {  	[simem:s6], [sflag:s4] =	dma.local [hbm:s3], $0xF7A  }
0x26: {  	[smem:$0x3F97] =	sst s1;
	(tag) =	ssettag s2;
	_ =	strace s9  }
0x27: {  	s1 =	sld [smem:$0x3FA7]  }
0x28: {  	s2 =	sld [smem:$0x3FA8]  }
0x29: {  	s4 =	sld [smem:$0x3FAA]  }
0x2a: {  	p0 =	seq.s32 s5, $0x0;
	s5 =	sld [smem:$0x3FAB]  }
0x2b: {  	s6 =	sld [smem:$0x3FAC]  }
0x2c: {  	s7 =	sld [smem:$0x3FAD]  }
0x2d: {  	s3 =	simm.s32 $0x108;
	s8 =	sld [smem:$0x3FAE]  }
0x2e: {  	s3 =	simm.s32 @!p0 $0x1082;
	s9 =	sld [smem:$0x3FAF]  }
0x2f: {  	lr =	sadd.s32 s0, s3;
	s0 =	sld [smem:$0x3FA6]  }
0x30: {  	s3 =	sld [smem:$0x3FA9]  }
0x31: {  	[smem:$0x3FB2] =	sst s10  }
0x32: {  	s10 =	sld [smem:$0x3FB0];
	_ =	sdelay $0x3  }
0x33: {  	p0 =	seq.s32 s10, $0x1;
	s10 =	sld [smem:$0x3FB2];
	_ =	sdelay $0x3  }
0x34: {  	[smem:$0x3FB2] =	sst s10  }
0x35: {  	s10 =	sld [smem:$0x3FB1];
	_ =	sdelay $0x3  }
0x36: {  	p1 =	seq.s32 s10, $0x1;
	s10 =	sld [smem:$0x3FB2];
	_ =	sdelay $0x3  }
0x37: {  	[smem:$0x3FB2] =	sst s10  }
0x38: {  	s10 =	sld [smem:$0x3FB3]  }
0x39: {  	_ = 	snop;
	(pc) =	sbr.ind lr, $3  }
0x3a: {  	_ = 	snop  }
0x3b: {  	_ = 	snop  }
0x3c: {  	p2 =	seq.s32 s10, $0x1;
	s10 =	sld [smem:$0x3FB2]  }
0x3d: {  	_ =	shalt  }
0x3e: {  	_ =	shalt  }
0x3f: {  	_ =	shalt  }
0x40: {  	_ =	shalt  }
0x41: {  	_ =	shalt  }
0x42: {  	_ =	shalt  }
0x43: {  	_ =	shalt  }
0x44: {  	_ =	shalt  }
0x45: {  	_ =	shalt  }
0x46: {  	_ =	shalt  }
0x47: {  	_ =	shalt  }
0x48: {  	_ =	shalt  }
0x49: {  	_ =	shalt  }
0x4a: {  	_ =	shalt  }
0x4b: {  	_ =	shalt  }
0x4c: {  	_ =	shalt  }
0x4d: {  	_ =	shalt  }
0x4e: {  	_ =	shalt  }
0x4f: {  	_ =	shalt  }
0x50: {  	_ =	shalt  }
0x51: {  	_ =	shalt  }
0x52: {  	_ =	shalt  }
0x53: {  	_ =	shalt  }
0x54: {  	_ =	shalt  }
0x55: {  	_ =	shalt  }
0x56: {  	_ =	shalt  }
0x57: {  	_ =	shalt  }
0x58: {  	_ =	shalt  }
0x59: {  	_ =	shalt  }
0x5a: {  	_ =	shalt  }
0x5b: {  	_ =	shalt  }
0x5c: {  	_ =	shalt  }
0x5d: {  	_ =	shalt  }
0x5e: {  	_ =	shalt  }
0x5f: {  	_ =	shalt  }
0x60: {  	_ =	shalt  }
0x61: {  	_ =	shalt  }
0x62: {  	_ =	shalt  }
0x63: {  	_ =	shalt  }
0x64: {  	_ =	shalt  }
0x65: {  	_ =	shalt  }
0x66: {  	_ =	shalt  }
0x67: {  	_ =	shalt  }
0x68: {  	_ =	shalt  }
0x69: {  	_ =	shalt  }
0x6a: {  	_ =	shalt  }
0x6b: {  	_ =	shalt  }
0x6c: {  	_ =	shalt  }
0x6d: {  	_ =	shalt  }
0x6e: {  	_ =	shalt  }
0x6f: {  	_ =	shalt  }
0x70: {  	_ =	shalt  }
0x71: {  	_ =	shalt  }
0x72: {  	_ =	shalt  }
0x73: {  	_ =	shalt  }
0x74: {  	_ =	shalt  }
0x75: {  	_ =	shalt  }
0x76: {  	_ =	shalt  }
0x77: {  	_ =	shalt  }
0x78: {  	_ =	shalt  }
0x79: {  	_ =	shalt  }
0x7a: {  	_ =	shalt  }
0x7b: {  	_ =	shalt  }
0x7c: {  	_ =	shalt  }
0x7d: {  	_ =	shalt  }
0x7e: {  	_ =	shalt  }
0x7f: {  	_ =	shalt  }
0x80: {  	_ =	shalt  }
0x81: {  	_ =	shalt  }
0x82: {  	_ =	shalt  }
0x83: {  	_ =	shalt  }
0x84: {  	_ =	shalt  }
0x85: {  	_ =	shalt  }
0x86: {  	_ =	shalt  }
0x87: {  	_ =	shalt  }
.Lfunc_end0:
.L_simem_size_0:
called_computation_lowered:
.L_overlay_start_0:
0x88: {  	s2 =	sld [smem:$0x3FD9]  }
0x89: {  	s3 =	sld [smem:$0x3FFE];
	_ =	sdelay $0x1  }
0x8a: {  	s1 =	srdreg.scid  }
0x8b: {  	s0 =	sand.u32 $0x1, s1  }
0x8c: {  	s16 =	sshll.u32 s0, $0xA;
	s2 =	sadd.s32 s3, s2  }
0x8d: {  	s2 =	sadd.s32 s2, s16  }
0x8e: {  	[smem:$0x3FBE] =	sst s2  }
0x8f: {  	_ = 	snop  }
0x90: {  	(tm) =	ssettm $0x1  }
0x91: {  	s17 =	sld [smem:$0x3FFB];
	_ =	sdelay $0x3  }
0x92: {  	_ =	strace s17  }
0x93: {  	s2 =	sld [smem:$0x3FFC];
	_ =	sdelay $0x3  }
0x94: {  	_ =	strace s2  }
0x95: {  	s2 =	sld [smem:$0x3FFD];
	_ =	sdelay $0x3  }
0x96: {  	_ =	strace s2  }
0x97: {  	_ =	strace $0x8FFFFFFF  }
0x98: {  	s18 =	sld [smem:$0x3FDB];
	_ =	sdelay $0x1  }
0x99: {  	s19 =	simm.s32 $_scs_section_size  }
0x9a: {  	s4 =	simm.s32 $_size__tile_overlayer_lowered;
	s5 =	simm.s32 $_tile_overlayer_lowered  }
0x9b: {  	s22 =	simm.s32 $0x1BFF;
	s21 =	sshll.u32 s5, $0x1;
	s2 =	sadd.s32 s19, s18  }
0x9c: {  	s6 =	simm.s32 $0x0;
	s20 =	sshll.u32 s4, $0x1;
	s4 =	sadd.s32 s21, s2  }
0x9d: {  	[timem:s6], [sflag:s22] =	dma.local [hbm:s4], s20  }
0x9e: {  	_ =	swait.ge [sflag:s22], s20  }
0x9f: {  	s3 =	ssub.s32 $0x0, s20;
	[sflag:s22] =	ssyncset.done $0x0  }
0xa0: {  	[sflag:s22] =	ssyncadd.s32 s3;
	_ =	sdelay $0x1  }
0xa1: {  	s23 =	simm.s32 $0x1B8B  }
0xa2: {  	_ =	swait.ge [sflag:s23], $0x1  }
0xa3: {  	[sflag:s23] =	ssyncset.done $0x0  }
0xa4: {  	s25 =	simm.s32 $0x1B8E;
	s24 =	sld [smem:$0x3FFE];
	[sflag:s23] =	ssyncadd.s32 $0xFFFFFFFF  }
0xa5: {  	s26 =	simm.s32 $execute0_lowered;
	[smem:$0x3FD2] =	sst s25  }
0xa6: {  	s4 =	sshll.u32 s26, $0x1;
	_ =	strace $0x80000046;
	[dreg:$0x1] =	wrdreg $0xFFFFFFFF  }
0xa7: {  	s28 =	simm.s32 $_size_execute0_lowered;
	s2 =	sadd.s32 s2, s4;
	[dreg:$0x0] =	wrdreg $0x0  }
0xa8: {  	s4 =	sshll.u32 s28, $0x1;
	[dreg:$0x2] =	wrdreg s2  }
0xa9: {  	[dreg:$0x3] =	wrdreg s4  }
0xaa: {  	[dreg:$0x4] =	wrdreg $0xC0  }
0xab: {  	_ =	task [dreg:s6], $0x5FFFF  }
0xac: {  	[dreg:$0x1] =	wrdreg $0xFFFFFFFF  }
0xad: {  	[dreg:$0x0] =	wrdreg $0x60  }
0xae: {  	[dreg:$0x2] =	wrdreg s24  }
0xaf: {  	[dreg:$0x3] =	wrdreg $0x79000  }
0xb0: {  	[dreg:$0x4] =	wrdreg $0x7B800  }
0xb1: {  	[dreg:$0x5] =	wrdreg $0x9  }
0xb2: {  	_ =	task.clear_ibuf [dreg:s6], $0x6FFFF;
	_ =	strace $0x90000046  }
0xb3: {  	s29 =	simm.s32 $0x9;
	_ =	strace $0x80000048  }
0xb4: {  	_ =	swait.ge [sflag:s29], $0x1  }
0xb5: {  	[sflag:s29] =	ssyncadd.s32 $0xFFFFFFFF  }
0xb6: {  	_ =	strace $0x90000048  }
0xb7: {  	_ =	sfence  }
0xb8: {  	s30 =	sld [smem:$0x0];
	_ =	sdelay $0x2  }
0xb9: {  	s31 =	sshll.u32 s1, $0xD;
	s1 =	sshrl.u32 s1, $0x2  }
0xba: {  	s3 =	sand.u32 $0x4000, s31;
	s1 =	sadd.s32 s1, s30  }
0xbb: {  	s0 =	sor.u32 s3, s0;
	s1 =	sshll.u32 s1, $0x11  }
0xbc: {  	s0 =	sor.u32 s1, s0  }
0xbd: {  	s0 =	sadd.s32 $0x8F2B, s0  }
0xbe: {  	[sflag:s0] =	ssyncadd.remote.s32 $0x1  }
0xbf: {  	_ =	sfence.sel $0xFFFF  }
0xc0: {  	[dreg:$0x0] =	wrdreg $0xFFFFFFFF;
	(pc) =	sbr.abs _section_cstart, $3  }
0xc1: {  	[dreg:$0x1] =	wrdreg $0xFFFFFFFF  }
0xc2: {  	_ =	task.clear_ibuf [dreg:s6], $0x2FFFF;
	_ =	strace $0x9FFFFFFF  }
0xc3: {  	(tm) =	ssettm $0x7FFFFFFF  }
tec
execute0_lowered:
.L_overlay_start_1:
0x0: {  	(tag) =	ssettag $0x1  }
0x1: {  	s6 =	rddreg [dreg:$0x0]  }
0x2: {  	s1 =	srdreg.scid;
	s2 =	rddreg [dreg:$0x1]  }
0x3: {  	s0 =	stileid.u32;
	s3 =	rddreg [dreg:$0x2]  }
0x4: {  	s4 =	simm.s32 $0x0;
	s12 =	simm.s32 $0x2780;
	s13 =	simm.s32 $0x7680  }
0x5: {  	s14 =	simm.s32 $0x1;
	s15 =	simm.s32 $0x2710;
	s16 =	simm.s32 $0x4F00  }
0x6: {  	s17 =	simm.s32 $0x2;
	s20 =	simm.s32 $0x20;
	s21 =	simm.s32 $0x10  }
0x7: {  	s23 =	simm.s32 $0x0;
	s5 =	sand.u32 $0x1, s1;
	s9 =	smul.u32 $0x500, s0  }
0x8: {  	s29 =	sshll.u32 s0, $0x1;
	[smem:$0x7FF] =	sst s4;
	s31 =	smul.u32 $0x280, s0  }
0x9: {  	s22 =	sshll.u32 s0, $0x6;
	s1 =	sor.u32 s5, s29;
	s8 =	smul.u32 $0x5000, s5  }
0xa: {  	s5 =	ssub.s32 $0x2, s5;
	s18 =	sor.u32 $0x1C01, s22;
	s22 =	sor.u32 $0x1C02, s22  }
0xb: {  	s7 =	smul.u32 $0x2710, s1;
	s1 =	rddreg [dreg:$0x3];
	s30 =	sshrl.u32 s5, $0x1  }
0xc: {  	_ =	strace $0x80000047;
	s8 =	sadd.s32 s9, s8;
	s11 =	ssub.s32 s5, s30  }
0xd: {  	s7 =	sshrl.u32 s7, $0x3;
	s8 =	sshrl.u32 s8, $0x3;
	s11 =	smax.u32 s11, $0x1  }
0xe: {  	s7 =	sadd.s32 s7, s6;
	s10 =	sadd.s32 s8, s6;
	s8 =	sadd.s32 s31, s3  }
0xf: {  	s5 =	sadd.s32 $0x2800, s7;
	s6 =	sadd.s32 $0xC440, s7;
	s7 =	sadd.s32 s31, s2  }
0x10: {  	v0 =	vimm.f32 $1.000000000e+00;
	v1 =	vimm.f32 $0.0e+00;
	s9 =	sadd.s32 $0x16200, s10;
	s10 =	sadd.s32 $0x16210, s10;
	s19 =	sshrl.u32 s7, $0x3  }
.LBB2_1:
0x11: {  	[tilespmem:s4], [sflag:$0x1] =	stream.linear.gather [hbm4b:s5+s4], $0x2710, $0x38;
	[tilespmem:$0x7E00] =	vst v63  }
0x12: {  	s24 =	simm.s32 $0x40;
	s25 =	simm.s32 $0x0  }
0x13: {  	[tilespmem:s12], [sflag:$0x1] =	stream.linear.gather [hbm4b:s6+s4], $0x2710, $0x38;
	[tilespmem:$0x7E00] =	vst v63  }
.LBB2_2:
0x14: {  	p0 =	sne.s32 s24, $0x9C00;
	[tilespmem:s25+$0x4F00] =	vst v0;
	s25 =	smov.u32 s24;
	s24 =	sadd.s32 $0x40, s24  }
.Ltmp0:
0x15: {  	(pc) =	sbr.rel @p0 .LBB2_2-.Ltmp0, $2  }
0x16: {  	_ =	sdelay $0x2  }
0x17: {  	s25 =	sshra.s32 s25, $0x2  }
0x18: {  	[tilespmem:s25+$0x4F00] =	vst v0  }
0x19: {  	[tilespmem:$0x7680] =	vst v1  }
0x1a: {  	[tilespmem:$0x7690] =	vst v1  }
0x1b: {  	[tilespmem:$0x76A0] =	vst v1  }
0x1c: {  	[tilespmem:$0x76B0] =	vst v1  }
0x1d: {  	[tilespmem:$0x76C0] =	vst v1  }
0x1e: {  	[tilespmem:$0x76D0] =	vst v1  }
0x1f: {  	[tilespmem:$0x76E0] =	vst v1  }
0x20: {  	[tilespmem:$0x76F0] =	vst v1  }
0x21: {  	[tilespmem:$0x7700] =	vst v1  }
0x22: {  	[tilespmem:$0x7710] =	vst v1  }
0x23: {  	[tilespmem:$0x7720] =	vst v1  }
0x24: {  	[tilespmem:$0x7730] =	vst v1  }
0x25: {  	[tilespmem:$0x7740] =	vst v1  }
0x26: {  	[tilespmem:$0x7750] =	vst v1  }
0x27: {  	[tilespmem:$0x7760] =	vst v1  }
0x28: {  	[tilespmem:$0x7770] =	vst v1  }
0x29: {  	[tilespmem:$0x7780] =	vst v1  }
0x2a: {  	[tilespmem:$0x7790] =	vst v1  }
0x2b: {  	[tilespmem:$0x77A0] =	vst v1  }
0x2c: {  	[tilespmem:$0x77B0] =	vst v1  }
0x2d: {  	[tilespmem:$0x77C0] =	vst v1  }
0x2e: {  	[tilespmem:$0x77D0] =	vst v1  }
0x2f: {  	[tilespmem:$0x77E0] =	vst v1  }
0x30: {  	[tilespmem:$0x77F0] =	vst v1  }
0x31: {  	[tilespmem:$0x7800] =	vst v1  }
0x32: {  	[tilespmem:$0x7810] =	vst v1  }
0x33: {  	[tilespmem:$0x7820] =	vst v1  }
0x34: {  	[tilespmem:$0x7830] =	vst v1  }
0x35: {  	[tilespmem:$0x7840] =	vst v1  }
0x36: {  	[tilespmem:$0x7850] =	vst v1  }
0x37: {  	[tilespmem:$0x7860] =	vst v1  }
0x38: {  	[tilespmem:$0x7870] =	vst v1  }
0x39: {  	[tilespmem:$0x7880] =	vst v1  }
0x3a: {  	[tilespmem:$0x7890] =	vst v1  }
0x3b: {  	[tilespmem:$0x78A0] =	vst v1  }
0x3c: {  	[tilespmem:$0x78B0] =	vst v1  }
0x3d: {  	[tilespmem:$0x78C0] =	vst v1  }
0x3e: {  	[tilespmem:$0x78D0] =	vst v1  }
0x3f: {  	[tilespmem:$0x78E0] =	vst v1  }
0x40: {  	[tilespmem:$0x78F0] =	vst v1  }
0x41: {  	[spmem:s7] =	stream.linear.scatter [tilespmem:s13], [sflag:$0x1], $0x280, $0x38;
	[tilespmem:$0x7E00] =	vst v63  }
0x42: {  	_ = 	snop  }
0x43: {  	[spmem:s8] =	stream.linear.scatter [tilespmem:s13], [sflag:$0x1], $0x280, $0x38;
	[tilespmem:$0x7E00] =	vst v63  }
0x44: {  	_ =	swait.ge [sflag:s14], $0x2710  }
0x45: {  	[sflag:s14] =	ssyncset.done $0x0  }
0x46: {  	[sflag:s14] =	ssyncadd.s32 $0xFFFFD8F0  }
0x47: {  	_ =	swait.ge [sflag:s14], $0x2710  }
0x48: {  	[sflag:s14] =	ssyncset.done $0x0  }
0x49: {  	[sflag:s14] =	ssyncadd.s32 $0xFFFFD8F0  }
0x4a: {  	_ =	swait.ge [sflag:s14], $0x280  }
0x4b: {  	[sflag:s14] =	ssyncset.done $0x0  }
0x4c: {  	[sflag:s14] =	ssyncadd.s32 $0xFFFFFD80  }
0x4d: {  	_ =	swait.ge [sflag:s14], $0x280  }
0x4e: {  	[sflag:s14] =	ssyncset.done $0x0  }
0x4f: {  	[sflag:s14] =	ssyncadd.s32 $0xFFFFFD80  }
0x50: {  	[bflag:$0x0] =	sbarrier.arrive $0xFFFF  }
0x51: {  	[spmem:s2] =	stream.indirect.scatter.add.f32 [tilespmem:s16], [sflag:$0x1], $0x1, s4, s15, $0xb8;
	[tilespmem:$0x7E00] =	vst v63  }
0x52: {  	_ = 	snop  }
0x53: {  	[spmem:s3] =	stream.indirect.scatter.add.f32 [tilespmem:s16], [sflag:$0x2], $0x1, s12, s15, $0xb8;
	[tilespmem:$0x7E00] =	vst v63  }
0x54: {  	_ =	swait.ge [sflag:s14], $0x2710  }
0x55: {  	[sflag:s14] =	ssyncset.done $0x0  }
0x56: {  	[sflag:s14] =	ssyncadd.s32 $0xFFFFD8F0  }
0x57: {  	_ =	swait.ge [sflag:s17], $0x2710  }
0x58: {  	[sflag:s17] =	ssyncset.done $0x0  }
0x59: {  	[sflag:s17] =	ssyncadd.s32 $0xFFFFD8F0  }
0x5a: {  	s24 =	sshrl.u32 s8, $0x3;
	s23 =	sadd.s32 $0x1, s23;
	[bflag:$0x0] =	sbarrier.arrive $0xFFFF  }
0x5b: {  	[hbm:s9@s20], [sflag:s18] =	dma.strided [spmem:s19@s21], $0x50, s14, $0x10   }
0x5c: {  	[hbm:s10@s20], [sflag:s22] =	dma.strided [spmem:s24@s21], $0x50, s14, $0x10   }
0x5d: {  	p0 =	sne.s32 s23, s11;
	_ =	swait.ge [sflag:s14], $0x50  }
.Ltmp1:
0x5e: {  	[sflag:s14] =	ssyncset.done $0x0;
	(pc) =	sbr.rel @p0 .LBB2_1-.Ltmp1, $4  }
0x5f: {  	[sflag:s14] =	ssyncadd.s32 $0xFFFFFFB0  }
0x60: {  	_ =	swait.ge [sflag:s17], $0x50  }
0x61: {  	[sflag:s17] =	ssyncset.done $0x0  }
0x62: {  	[sflag:s17] =	ssyncadd.s32 $0xFFFFFFB0  }
0x63: {  	_ =	sfence.sel $0x180000  }
0x64: {  	[bflag:$0x0] =	sbarrier.arrive $0xFFFF  }
0x65: {  	p0 =	sne.s32 s0, $0x0;
	_ =	strace $0x90000047  }
0x66: {  	s0 =	sadd.s32 @!p0 $0x100000, s1;
	[bflag:$0x2] =	sbarrier.arrive $0xFFFF  }
0x67: {  	[sflag:s0] =	ssyncadd.tile.s32 @!p0 $0x1;
	_ =	shalt  }
.Lfunc_end2:
_tile_overlayer_lowered:
.L_overlay_start_2:
0x68: {  	(tag) =	ssettag $0x2  }
0x69: {  	s0 =	rddreg [dreg:$0x0];
	s2 =	stileid.u32  }
0x6a: {  	s1 =	rddreg [dreg:$0x1];
	p0 =	sne.s32 s2, $0x0  }
0x6b: {  	s3 =	rddreg [dreg:$0x2];
	[bflag:$0x3] =	sbarrier.arrive $0xFFFF;
	s2 =	simm.s32 @!p0 $0x1C03  }
0x6c: {  	[timem:s3], [sflag:s2] =	dma.local @!p0 [hbm:s0], s1  }
0x6d: {  	s0 =	simm.s32 @!p0 $0x3  }
0x6e: {  	_ =	swait.ge @!p0 [sflag:s0], s1  }
0x6f: {  	s1 =	ssub.s32 @!p0 $0x0, s1;
	[sflag:s0] =	ssyncset.done @!p0 $0x0  }
0x70: {  	[sflag:s0] =	ssyncadd.s32 @!p0 s1  }
0x71: {  	[bflag:$0x3] =	sbarrier.arrive $0xFFFF  }
0x72: {  	_ =	shalt  }

// kernel: kernel.9.cloned.1.call-start
scs
__scs_entry_jumppad:
0x0: {  	(pc) =	sbr.rel $0x88, $3  }
0x1: {  	(tag) =	ssettag $0x0;
	lr =	simm.s32 $0x1  }
0x2: {  	[smem:$0x3F97] =	sst lr;
	_ =	strace $0xD0000000  }
0x3: {  	_ = 	snop  }
0x4: {  	_ = 	snop  }
0x5: {  	_ = 	snop  }
0x6: {  	_ = 	snop  }
0x7: {  	_ = 	snop  }
__scs_overlays_trampoline_lowered:
0x8: {  	[smem:$0x3FA6] =	sst s0  }
0x9: {  	[smem:$0x3FA7] =	sst s1  }
0xa: {  	[smem:$0x3FA8] =	sst s2  }
0xb: {  	[smem:$0x3FA9] =	sst s3  }
0xc: {  	[smem:$0x3FAA] =	sst s4  }
0xd: {  	[smem:$0x3FAB] =	sst s5  }
0xe: {  	[smem:$0x3FAC] =	sst s6  }
0xf: {  	[smem:$0x3FAD] =	sst s7  }
0x10: {  	[smem:$0x3FAE] =	sst s8  }
0x11: {  	[smem:$0x3FAF] =	sst s9;
	s0 =	simm.s32 @!p0 $0x0  }
0x12: {  	s1 =	sld [smem:$0x3F95];
	s0 =	simm.s32 @p0 $0x1  }
0x13: {  	[smem:$0x3FB0] =	sst s0;
	s0 =	simm.s32 @!p1 $0x0  }
0x14: {  	s2 =	sld [smem:$0x3F94];
	s0 =	simm.s32 @p1 $0x1  }
0x15: {  	[smem:$0x3FB1] =	sst s0;
	s0 =	simm.s32 @!p2 $0x0  }
0x16: {  	s3 =	sld [smem:$0x3FDB];
	s0 =	simm.s32 @p2 $0x1  }
0x17: {  	s4 =	simm.s32 $0x1BF5;
	[smem:$0x3FB3] =	sst s0  }
0x18: {  	s0 =	sld [smem:$0x3F96];
	_ =	swait.ge [sflag:s4], $0x0  }
0x19: {  	s7 =	sld [smem:$0x3F97]  }
0x1a: {  	s8 =	sadd.s32 $0xFFFFE003, lr  }
0x1b: {  	s9 =	sadd.s32 $0xFFFFFEF7, lr;
	s5 =	simm.s32 $0xFFFFFFFF;
	p2 =	slt.u32 s8, $0xFFFFF086  }
0x1c: {  	p1 =	slt.u32 s9, $0xF7A;
	s5 =	simm.s32 @!p2 $0x0  }
0x1d: {  	s5 =	simm.s32 @p1 $0x1;
	p0 =	seq.s32 s7, s2  }
0x1e: {  	s7 =	smul.u32 @!p0 $0xF7A, s2;
	p2 =	seq.s32 @!p0 s5, $0x0  }
0x1f: {  	s9 =	smul.u32 $0xF7A, s1;
	s8 =	simm.s32 @!p0 $0x1BF5;
	p2 =	por !p2, p0  }
0x20: {  	[sflag:s8] =	ssyncset.s32 @!p0 $0xFFFFF086;
	s6 =	sadd.s32 @!p0 s3, s7;
	s7 =	simm.s32 @!p0 $0x108  }
0x21: {  	s3 =	sadd.s32 s3, s9;
	s6 =	sadd.s32 @!p0 $0x88, s6;
	s7 =	simm.s32 @p2 $0x1082  }
0x22: {  	[simem:s7], [sflag:s8] =	dma.local @!p0 [hbm:s6], $0xF7A  }
0x23: {  	s9 =	sor.u32 $0xD0000000, s2;
	s6 =	simm.s32 $0x108;
	_ =	swait.ge @!p0 [sflag:s8], $0x0  }
0x24: {  	s3 =	sadd.s32 $0x88, s3;
	s6 =	simm.s32 @!p1 $0x1082;
	[sflag:s4] =	ssyncset.s32 $0xFFFFF086  }
0x25: {  	[simem:s6], [sflag:s4] =	dma.local [hbm:s3], $0xF7A  }
0x26: {  	[smem:$0x3F97] =	sst s1;
	(tag) =	ssettag s2;
	_ =	strace s9  }
0x27: {  	s1 =	sld [smem:$0x3FA7]  }
0x28: {  	s2 =	sld [smem:$0x3FA8]  }
0x29: {  	s4 =	sld [smem:$0x3FAA]  }
0x2a: {  	p0 =	seq.s32 s5, $0x0;
	s5 =	sld [smem:$0x3FAB]  }
0x2b: {  	s6 =	sld [smem:$0x3FAC]  }
0x2c: {  	s7 =	sld [smem:$0x3FAD]  }
0x2d: {  	s3 =	simm.s32 $0x108;
	s8 =	sld [smem:$0x3FAE]  }
0x2e: {  	s3 =	simm.s32 @!p0 $0x1082;
	s9 =	sld [smem:$0x3FAF]  }
0x2f: {  	lr =	sadd.s32 s0, s3;
	s0 =	sld [smem:$0x3FA6]  }
0x30: {  	s3 =	sld [smem:$0x3FA9]  }
0x31: {  	[smem:$0x3FB2] =	sst s10  }
0x32: {  	s10 =	sld [smem:$0x3FB0];
	_ =	sdelay $0x3  }
0x33: {  	p0 =	seq.s32 s10, $0x1;
	s10 =	sld [smem:$0x3FB2];
	_ =	sdelay $0x3  }
0x34: {  	[smem:$0x3FB2] =	sst s10  }
0x35: {  	s10 =	sld [smem:$0x3FB1];
	_ =	sdelay $0x3  }
0x36: {  	p1 =	seq.s32 s10, $0x1;
	s10 =	sld [smem:$0x3FB2];
	_ =	sdelay $0x3  }
0x37: {  	[smem:$0x3FB2] =	sst s10  }
0x38: {  	s10 =	sld [smem:$0x3FB3]  }
0x39: {  	_ = 	snop;
	(pc) =	sbr.ind lr, $3  }
0x3a: {  	_ = 	snop  }
0x3b: {  	_ = 	snop  }
0x3c: {  	p2 =	seq.s32 s10, $0x1;
	s10 =	sld [smem:$0x3FB2]  }
0x3d: {  	_ =	shalt  }
0x3e: {  	_ =	shalt  }
0x3f: {  	_ =	shalt  }
0x40: {  	_ =	shalt  }
0x41: {  	_ =	shalt  }
0x42: {  	_ =	shalt  }
0x43: {  	_ =	shalt  }
0x44: {  	_ =	shalt  }
0x45: {  	_ =	shalt  }
0x46: {  	_ =	shalt  }
0x47: {  	_ =	shalt  }
0x48: {  	_ =	shalt  }
0x49: {  	_ =	shalt  }
0x4a: {  	_ =	shalt  }
0x4b: {  	_ =	shalt  }
0x4c: {  	_ =	shalt  }
0x4d: {  	_ =	shalt  }
0x4e: {  	_ =	shalt  }
0x4f: {  	_ =	shalt  }
0x50: {  	_ =	shalt  }
0x51: {  	_ =	shalt  }
0x52: {  	_ =	shalt  }
0x53: {  	_ =	shalt  }
0x54: {  	_ =	shalt  }
0x55: {  	_ =	shalt  }
0x56: {  	_ =	shalt  }
0x57: {  	_ =	shalt  }
0x58: {  	_ =	shalt  }
0x59: {  	_ =	shalt  }
0x5a: {  	_ =	shalt  }
0x5b: {  	_ =	shalt  }
0x5c: {  	_ =	shalt  }
0x5d: {  	_ =	shalt  }
0x5e: {  	_ =	shalt  }
0x5f: {  	_ =	shalt  }
0x60: {  	_ =	shalt  }
0x61: {  	_ =	shalt  }
0x62: {  	_ =	shalt  }
0x63: {  	_ =	shalt  }
0x64: {  	_ =	shalt  }
0x65: {  	_ =	shalt  }
0x66: {  	_ =	shalt  }
0x67: {  	_ =	shalt  }
0x68: {  	_ =	shalt  }
0x69: {  	_ =	shalt  }
0x6a: {  	_ =	shalt  }
0x6b: {  	_ =	shalt  }
0x6c: {  	_ =	shalt  }
0x6d: {  	_ =	shalt  }
0x6e: {  	_ =	shalt  }
0x6f: {  	_ =	shalt  }
0x70: {  	_ =	shalt  }
0x71: {  	_ =	shalt  }
0x72: {  	_ =	shalt  }
0x73: {  	_ =	shalt  }
0x74: {  	_ =	shalt  }
0x75: {  	_ =	shalt  }
0x76: {  	_ =	shalt  }
0x77: {  	_ =	shalt  }
0x78: {  	_ =	shalt  }
0x79: {  	_ =	shalt  }
0x7a: {  	_ =	shalt  }
0x7b: {  	_ =	shalt  }
0x7c: {  	_ =	shalt  }
0x7d: {  	_ =	shalt  }
0x7e: {  	_ =	shalt  }
0x7f: {  	_ =	shalt  }
0x80: {  	_ =	shalt  }
0x81: {  	_ =	shalt  }
0x82: {  	_ =	shalt  }
0x83: {  	_ =	shalt  }
0x84: {  	_ =	shalt  }
0x85: {  	_ =	shalt  }
0x86: {  	_ =	shalt  }
0x87: {  	_ =	shalt  }
.Lfunc_end0:
.L_simem_size_0:
called_computation.1_lowered:
.L_overlay_start_0:
0x88: {  	s2 =	sld [smem:$0x3FD9]  }
0x89: {  	s3 =	sld [smem:$0x3FFE];
	_ =	sdelay $0x1  }
0x8a: {  	s1 =	srdreg.scid  }
0x8b: {  	s0 =	sand.u32 $0x1, s1  }
0x8c: {  	s16 =	sshll.u32 s0, $0xA;
	s2 =	sadd.s32 s3, s2  }
0x8d: {  	s2 =	sadd.s32 s2, s16  }
0x8e: {  	[smem:$0x3FBE] =	sst s2  }
0x8f: {  	_ = 	snop  }
0x90: {  	(tm) =	ssettm $0x1  }
0x91: {  	s17 =	sld [smem:$0x3FFB];
	_ =	sdelay $0x3  }
0x92: {  	_ =	strace s17  }
0x93: {  	s2 =	sld [smem:$0x3FFC];
	_ =	sdelay $0x3  }
0x94: {  	_ =	strace s2  }
0x95: {  	s2 =	sld [smem:$0x3FFD];
	_ =	sdelay $0x3  }
0x96: {  	_ =	strace s2  }
0x97: {  	_ =	strace $0x8FFFFFFF  }
0x98: {  	s18 =	sld [smem:$0x3FDB];
	_ =	sdelay $0x1  }
0x99: {  	s19 =	simm.s32 $_scs_section_size  }
0x9a: {  	s4 =	simm.s32 $_size__tile_overlayer_lowered;
	s5 =	simm.s32 $_tile_overlayer_lowered  }
0x9b: {  	s22 =	simm.s32 $0x1BFF;
	s21 =	sshll.u32 s5, $0x1;
	s2 =	sadd.s32 s19, s18  }
0x9c: {  	s6 =	simm.s32 $0x0;
	s20 =	sshll.u32 s4, $0x1;
	s4 =	sadd.s32 s21, s2  }
0x9d: {  	[timem:s6], [sflag:s22] =	dma.local [hbm:s4], s20  }
0x9e: {  	_ =	swait.ge [sflag:s22], s20  }
0x9f: {  	s3 =	ssub.s32 $0x0, s20;
	[sflag:s22] =	ssyncset.done $0x0  }
0xa0: {  	[sflag:s22] =	ssyncadd.s32 s3;
	_ =	sdelay $0x1  }
0xa1: {  	s23 =	simm.s32 $0x1B8B  }
0xa2: {  	_ =	swait.ge [sflag:s23], $0x1  }
0xa3: {  	[sflag:s23] =	ssyncset.done $0x0  }
0xa4: {  	s25 =	simm.s32 $0x1B8E;
	s24 =	sld [smem:$0x3FFE];
	[sflag:s23] =	ssyncadd.s32 $0xFFFFFFFF  }
0xa5: {  	s26 =	simm.s32 $execute0_lowered;
	[smem:$0x3FD2] =	sst s25  }
0xa6: {  	s4 =	sshll.u32 s26, $0x1;
	_ =	strace $0x80000049;
	[dreg:$0x1] =	wrdreg $0xFFFFFFFF  }
0xa7: {  	s28 =	simm.s32 $_size_execute0_lowered;
	s2 =	sadd.s32 s2, s4;
	[dreg:$0x0] =	wrdreg $0x0  }
0xa8: {  	s4 =	sshll.u32 s28, $0x1;
	[dreg:$0x2] =	wrdreg s2  }
0xa9: {  	[dreg:$0x3] =	wrdreg s4  }
0xaa: {  	[dreg:$0x4] =	wrdreg $0xC0  }
0xab: {  	_ =	task [dreg:s6], $0x5FFFF  }
0xac: {  	[dreg:$0x1] =	wrdreg $0xFFFFFFFF  }
0xad: {  	[dreg:$0x0] =	wrdreg $0x60  }
0xae: {  	[dreg:$0x2] =	wrdreg s24  }
0xaf: {  	[dreg:$0x3] =	wrdreg $0xB4800  }
0xb0: {  	[dreg:$0x4] =	wrdreg $0xB7000  }
0xb1: {  	[dreg:$0x5] =	wrdreg $0xB9800  }
0xb2: {  	[dreg:$0x6] =	wrdreg $0xBC000  }
0xb3: {  	[dreg:$0x7] =	wrdreg $0x9  }
0xb4: {  	_ =	task.clear_ibuf [dreg:s6], $0x8FFFF;
	_ =	strace $0x90000049  }
0xb5: {  	s29 =	simm.s32 $0x9;
	_ =	strace $0x8000004B  }
0xb6: {  	_ =	swait.ge [sflag:s29], $0x1  }
0xb7: {  	[sflag:s29] =	ssyncadd.s32 $0xFFFFFFFF  }
0xb8: {  	_ =	strace $0x9000004B  }
0xb9: {  	_ =	sfence  }
0xba: {  	s30 =	sld [smem:$0x0];
	_ =	sdelay $0x2  }
0xbb: {  	s31 =	sshll.u32 s1, $0xD;
	s1 =	sshrl.u32 s1, $0x2  }
0xbc: {  	s3 =	sand.u32 $0x4000, s31;
	s1 =	sadd.s32 s1, s30  }
0xbd: {  	s0 =	sor.u32 s3, s0;
	s1 =	sshll.u32 s1, $0x11  }
0xbe: {  	s0 =	sor.u32 s1, s0  }
0xbf: {  	s0 =	sadd.s32 $0x8F2B, s0  }
0xc0: {  	[sflag:s0] =	ssyncadd.remote.s32 $0x1  }
0xc1: {  	_ =	sfence.sel $0xFFFF  }
0xc2: {  	[dreg:$0x0] =	wrdreg $0xFFFFFFFF;
	(pc) =	sbr.abs _section_cstart, $3  }
0xc3: {  	[dreg:$0x1] =	wrdreg $0xFFFFFFFF  }
0xc4: {  	_ =	task.clear_ibuf [dreg:s6], $0x2FFFF;
	_ =	strace $0x9FFFFFFF  }
0xc5: {  	(tm) =	ssettm $0x7FFFFFFF  }
tec
execute0_lowered:
.L_overlay_start_1:
0x0: {  	(tag) =	ssettag $0x1  }
0x1: {  	s0 =	rddreg [dreg:$0x0]  }
0x2: {  	s12 =	rddreg [dreg:$0x1]  }
0x3: {  	s13 =	rddreg [dreg:$0x2]  }
0x4: {  	s1 =	srdreg.scid;
	s18 =	rddreg [dreg:$0x3]  }
0x5: {  	s8 =	stileid.u32;
	s19 =	rddreg [dreg:$0x4];
	s6 =	simm.s32 $0x0  }
0x6: {  	s28 =	simm.s32 $0x2710;
	s29 =	simm.s32 $0x7680;
	s30 =	simm.s32 $0x3  }
0x7: {  	s31 =	simm.s32 $0x4;
	s1 =	sand.u32 $0x1, s1;
	s2 =	sshll.u32 s8, $0x1  }
0x8: {  	s3 =	smul.u32 $0x500, s8;
	[smem:$0x7FF] =	sst s6;
	s5 =	sadd.s32 $0x17600, s0  }
0x9: {  	s7 =	sadd.s32 $0x16200, s0;
	s9 =	smul.u32 $0x280, s8;
	s2 =	sor.u32 s1, s2  }
0xa: {  	s4 =	smul.u32 $0x5000, s1;
	_ =	strace $0x8000004A;
	s20 =	ssub.s32 $0x2, s1  }
0xb: {  	p0 =	sne.s32 s1, $0x0;
	s1 =	simm.s32 $0x2;
	s2 =	smul.u32 $0x2710, s2  }
0xc: {  	s10 =	sshrl.u32 s9, $0x3;
	s11 =	sshrl.u32 s20, $0x1;
	s15 =	sadd.s32 s9, s12  }
0xd: {  	s16 =	sadd.s32 s9, s13;
	s18 =	sadd.s32 s9, s18;
	s19 =	sadd.s32 s9, s19  }
0xe: {  	s4 =	sadd.s32 s3, s4;
	s3 =	sshrl.u32 s3, $0x3;
	s2 =	sshrl.u32 s2, $0x3  }
0xf: {  	s4 =	sshrl.u32 s4, $0x3;
	s8 =	sadd.s32 s7, s3;
	s22 =	sor.u32 $0x10, s3  }
0x10: {  	s26 =	sadd.s32 s5, s3;
	s3 =	simm.s32 $0x20;
	s2 =	sadd.s32 s2, s0  }
0x11: {  	s4 =	sadd.s32 s4, s0;
	s0 =	sadd.s32 s10, s0;
	s10 =	ssub.s32 s20, s11  }
0x12: {  	s23 =	sadd.s32 $0xA00, s8;
	s24 =	sadd.s32 s7, s22;
	[dreg:$0xb] =	wrdreg s26  }
0x13: {  	s25 =	sadd.s32 $0xA10, s8;
	s14 =	sadd.s32 s5, s22;
	[dreg:$0x8] =	wrdreg s23  }
0x14: {  	s26 =	simm.s32 $0x9E00;
	s5 =	simm.s32 $0x1;
	[dreg:$0x9] =	wrdreg s24  }
0x15: {  	s21 =	sadd.s32 $0x2800, s2;
	s2 =	sadd.s32 $0xC440, s2;
	[dreg:$0xa] =	wrdreg s25  }
0x16: {  	s17 =	sadd.s32 $0x19400, s0;
	s20 =	sadd.s32 $0x18000, s4;
	s22 =	smax.u32 s10, $0x1  }
0x17: {  	s23 =	simm.s32 $0x2780;
	s24 =	simm.s32 $0x80;
	[dreg:$0x6] =	wrdreg s21  }
0x18: {  	s25 =	simm.s32 $0x100;
	s0 =	simm.s32 $0x4F00;
	[dreg:$0x7] =	wrdreg s2  }
0x19: {  	v0 =	vimm.f32 $0.0e+00;
	s21 =	sadd.s32 $0x18010, s4;
	s2 =	simm.s32 $0x10;
	s4 =	simm.s32 $0x0  }
.LBB2_1:
0x1a: {  	s7 =	rddreg [dreg:$0x6]  }
0x1b: {  	[tilespmem:s6], [sflag:$0x1] =	stream.linear.gather [hbm4b:s7+s6], $0x2710, $0x38;
	[tilespmem:$0xBE80] =	vst v63  }
0x1c: {  	s10 =	rddreg [dreg:$0x7]  }
0x1d: {  	[tilespmem:s23], [sflag:$0x1] =	stream.linear.gather [hbm4b:s10+s6], $0x2710, $0x38;
	[tilespmem:$0xBE80] =	vst v63  }
0x1e: {  	_ = 	snop  }
0x1f: {  	[tilespmem:s26], [sflag:$0x2] =	stream.strided.gather [hbm4b:s8+s24], $0x280, s25, s24, $0x38;
	[tilespmem:$0xBE80] =	vst v63  }
0x20: {  	s11 =	rddreg [dreg:$0x8];
	s9 =	simm.s32 $0xA080  }
0x21: {  	[tilespmem:s9], [sflag:$0x2] =	stream.strided.gather [hbm4b:s11+s24], $0x280, s25, s24, $0x38;
	[tilespmem:$0xBE80] =	vst v63  }
0x22: {  	s12 =	rddreg [dreg:$0x9];
	s13 =	simm.s32 $0xA300  }
0x23: {  	[tilespmem:s13], [sflag:$0x2] =	stream.strided.gather [hbm4b:s12+s24], $0x280, s25, s24, $0x38;
	[tilespmem:$0xBE80] =	vst v63  }
0x24: {  	s10 =	simm.s32 $0xA580;
	s9 =	rddreg [dreg:$0xa]  }
0x25: {  	[tilespmem:s10], [sflag:$0x2] =	stream.strided.gather [hbm4b:s9+s24], $0x280, s25, s24, $0x38;
	[tilespmem:$0xBE80] =	vst v63  }
0x26: {  	s11 =	rddreg [dreg:$0xb];
	s12 =	simm.s32 $0xA800  }
0x27: {  	[tilespmem:s12], [sflag:$0x2] =	stream.strided.gather [hbm4b:s11+s24], $0x280, s25, s24, $0x38;
	[tilespmem:$0xBE80] =	vst v63  }
0x28: {  	s13 =	simm.s32 $0xAA80  }
0x29: {  	[tilespmem:s13], [sflag:$0x2] =	stream.strided.gather [hbm4b:s14+s24], $0x280, s25, s24, $0x38;
	[tilespmem:$0xBE80] =	vst v63  }
0x2a: {  	_ =	swait.ge [sflag:s1], $0x280  }
0x2b: {  	[sflag:s1] =	ssyncset.done $0x0  }
0x2c: {  	[sflag:s1] =	ssyncadd.s32 $0xFFFFFD80  }
0x2d: {  	_ =	swait.ge [sflag:s1], $0x280  }
0x2e: {  	[sflag:s1] =	ssyncset.done $0x0  }
0x2f: {  	[sflag:s1] =	ssyncadd.s32 $0xFFFFFD80  }
0x30: {  	_ =	swait.ge [sflag:s1], $0x280  }
0x31: {  	[sflag:s1] =	ssyncset.done $0x0  }
0x32: {  	[sflag:s1] =	ssyncadd.s32 $0xFFFFFD80  }
0x33: {  	_ =	swait.ge [sflag:s1], $0x280  }
0x34: {  	[sflag:s1] =	ssyncset.done $0x0  }
0x35: {  	[sflag:s1] =	ssyncadd.s32 $0xFFFFFD80  }
0x36: {  	_ =	swait.ge [sflag:s1], $0x280  }
0x37: {  	[sflag:s1] =	ssyncset.done $0x0  }
0x38: {  	[sflag:s1] =	ssyncadd.s32 $0xFFFFFD80  }
0x39: {  	_ =	swait.ge [sflag:s1], $0x280  }
0x3a: {  	[sflag:s1] =	ssyncset.done $0x0  }
0x3b: {  	s10 =	simm.s32 $0x0;
	[sflag:s1] =	ssyncadd.s32 $0xFFFFFD80  }
0x3c: {  	v1 =	vld [tilespmem:s10+$0x9E00]  }
0x3d: {  	v2 =	vld [tilespmem:s10+$0xA080];
	_ =	sdelay $0x4  }
0x3e: {  	v3 =	vld [tilespmem:s10+$0xA300];
	v2 =	vadd.f32 v2, v1  }
0x3f: {  	v1 =	vld [tilespmem:s10+$0xA580]  }
0x40: {  	v4 =	vshra.s32 v2, $0x1;
	v6 =	vmul.f32 $5.000000000e-01, v2  }
0x41: {  	v4 =	vsub.s32 $0x5F3759DF, v4  }
0x42: {  	v5 =	vmul.f32 v4, v6;
	_ =	sdelay $0x1  }
0x43: {  	s7 =	simm.s32 $0x10;
	v3 =	vadd.f32 v1, v3;
	v1 =	vmul.f32 v4, v5  }
0x44: {  	v9 =	vld [tilespmem:s7+$0xA080]  }
0x45: {  	v5 =	vld [tilespmem:s7+$0x9E00];
	v7 =	vshra.s32 v3, $0x1;
	v8 =	vmul.f32 $5.000000000e-01, v3;
	v1 =	vsub.f32 $1.500000000e+00, v1  }
0x46: {  	v7 =	vsub.s32 $0x5F3759DF, v7  }
0x47: {  	v10 =	vmul.f32 v7, v8;
	v4 =	vmul.f32 v4, v1;
	_ =	sdelay $0x1  }
0x48: {  	v11 =	vld [tilespmem:s7+$0xA300];
	v10 =	vmul.f32 v7, v10;
	v13 =	vmul.f32 v4, v6  }
0x49: {  	v12 =	vld [tilespmem:s7+$0xA580];
	v1 =	vadd.f32 v9, v5  }
0x4a: {  	v5 =	vsub.f32 $1.500000000e+00, v10;
	v9 =	vmul.f32 v13, v4  }
0x4b: {  	v10 =	vshra.s32 v1, $0x1;
	v19 =	vmul.f32 $5.000000000e-01, v1  }
0x4c: {  	v10 =	vsub.s32 $0x5F3759DF, v10;
	v7 =	vmul.f32 v7, v5;
	v5 =	vsub.f32 $1.500000000e+00, v9  }
0x4d: {  	v9 =	vmul.f32 v10, v19  }
0x4e: {  	s9 =	simm.s32 $0x20;
	v12 =	vadd.f32 v12, v11;
	v4 =	vmul.f32 v5, v4  }
0x4f: {  	v14 =	vld [tilespmem:s9+$0x9E00];
	v11 =	vmul.f32 v7, v8;
	v9 =	vmul.f32 v10, v9  }
0x50: {  	v15 =	vld [tilespmem:s9+$0xA080];
	v13 =	vshra.s32 v12, $0x1;
	v5 =	vmul.f32 $5.000000000e-01, v12;
	v6 =	vmul.f32 v4, v6  }
0x51: {  	v13 =	vsub.s32 $0x5F3759DF, v13;
	v11 =	vmul.f32 v11, v7;
	v9 =	vsub.f32 $1.500000000e+00, v9  }
0x52: {  	v16 =	vmul.f32 v13, v5;
	v6 =	vmul.f32 v6, v4  }
0x53: {  	v17 =	vld [tilespmem:s9+$0xA300];
	vm1 =	vgt.f32 v2, $5.000000000e-01;
	v11 =	vsub.f32 $1.500000000e+00, v11;
	v18 =	vmul.f32 v10, v9  }
0x54: {  	v20 =	vld [tilespmem:s9+$0xA580];
	vm0 =	vgt.f32 v3, $5.000000000e-01;
	v10 =	vmul.f32 v13, v16;
	v6 =	vsub.f32 $1.500000000e+00, v6  }
0x55: {  	v3 =	vadd.f32 v15, v14;
	v16 =	vld [tilespmem:s10+$0xAA80];
	v9 =	vmul.f32 v11, v7;
	v7 =	vmul.f32 v18, v19  }
0x56: {  	vm0 =	vmmov vm0;
	v10 =	vsub.f32 $1.500000000e+00, v10;
	v4 =	vmul.f32 v6, v4  }
0x57: {  	v2 =	vshra.s32 v3, $0x1;
	v6 =	vmul.f32 v7, v18;
	v7 =	vmul.f32 $5.000000000e-01, v3  }
0x58: {  	v8 =	vmul.f32 v9, v8;
	v11 =	vmul.f32 v13, v10;
	v13 =	vsub.s32 $0x5F3759DF, v2  }
0x59: {  	v10 =	vld [tilespmem:s10+$0xA800];
	v14 =	vnsel vm1, $0x0, v4;
	v15 =	vsub.f32 $1.500000000e+00, v6;
	v21 =	vmul.f32 v13, v7  }
0x5a: {  	v2 =	vld [tilespmem:s9+$0xA800];
	v6 =	vadd.f32 v20, v17;
	v20 =	vmul.f32 v11, v5;
	v16 =	vmul.f32 v14, v16  }
0x5b: {  	v4 =	vld [tilespmem:s7+$0xA800];
	vm1 =	vgt.f32 v12, $5.000000000e-01;
	v17 =	vmul.f32 v8, v9;
	v12 =	vmul.f32 v15, v18  }
0x5c: {  	s11 =	simm.s32 $0x30;
	v18 =	vmul.f32 v13, v21;
	v15 =	vshra.s32 v6, $0x1;
	v8 =	vmul.f32 $5.000000000e-01, v6;
	[tilespmem:s10+$0xAF80] =	vst v16  }
0x5d: {  	s12 =	simm.s32 $0x100;
	v20 =	vmul.f32 v20, v11;
	v15 =	vsub.s32 $0x5F3759DF, v15;
	v16 =	vld [tilespmem:s11+$0x9E00];
	v19 =	vmul.f32 v12, v19  }
.LBB2_2:
0x5e: {  	v18 =	vsub.f32 $1.500000000e+00, v18;
	v22 =	vmul.f32 v15, v8  }
0x5f: {  	p1 =	sne.s32 s12, $0x9C0;
	v21 =	vld [tilespmem:s11+$0xA080];
	v17 =	vsub.f32 $1.500000000e+00, v17;
	vm2 =	vmmov vm0;
	vm0 =	vmmov vm1  }
0x60: {  	v14 =	vmul.f32 v14, v10;
	v10 =	vmovc v4;
	v4 =	vmovc v2;
	v23 =	vld [tilespmem:s11+$0xA300];
	v19 =	vmul.f32 v19, v12;
	v20 =	vsub.f32 $1.500000000e+00, v20  }
0x61: {  	vm1 =	vgt.f32 v6, $5.000000000e-01;
	v24 =	vld [tilespmem:s11+$0xA580];
	v18 =	vmul.f32 v13, v18;
	v13 =	vmul.f32 v15, v22  }
0x62: {  	v22 =	vmul.f32 v17, v9;
	v6 =	vsub.f32 $1.500000000e+00, v19;
	v19 =	vld [tilespmem:s7+$0xAA80];
	v9 =	vmul.f32 v20, v11;
	[tilespmem:s10+$0xAD00] =	vst v14  }
0x63: {  	v2 =	vld [tilespmem:s11+$0xA800];
	v11 =	vmul.f32 v18, v7;
	v13 =	vsub.f32 $1.500000000e+00, v13  }
0x64: {  	v16 =	vadd.f32 v21, v16;
	v6 =	vmul.f32 v6, v12;
	v17 =	vmul.f32 v9, v5;
	v5 =	vmovc v8  }
0x65: {  	vm3 =	vgt.f32 v1, $5.000000000e-01;
	v1 =	vmovc v3;
	v8 =	vmul.f32 v11, v18;
	v11 =	vmul.f32 v15, v13  }
0x66: {  	v12 =	vshra.s32 v16, $0x1;
	v21 =	vmul.f32 $5.000000000e-01, v16;
	v14 =	vnsel vm3, $0x0, v6;
	v3 =	vmovc v16  }
.Ltmp0:
0x67: {  	v13 =	vsub.s32 $0x5F3759DF, v12;
	v8 =	vsub.f32 $1.500000000e+00, v8;
	v15 =	vmul.f32 v14, v19;
	(pc) =	sbr.rel @p1 .LBB2_2-.Ltmp0, $4  }
0x68: {  	v6 =	vadd.f32 v24, v23;
	v20 =	vmul.f32 v11, v5;
	v16 =	vmul.f32 v13, v21  }
0x69: {  	v17 =	vmul.f32 v17, v9;
	v12 =	vmul.f32 v8, v18;
	[tilespmem:s7+$0xAF80] =	vst v15;
	v15 =	vnsel vm2, $0x0, v22  }
0x6a: {  	s13 =	sshra.s32 s12, $0x2;
	v19 =	vshra.s32 v6, $0x1;
	v8 =	vmul.f32 $5.000000000e-01, v6;
	v18 =	vmul.f32 v13, v16;
	[tilespmem:s10+$0xB200] =	vst v15;
	s10 =	smov.u32 s7;
	s7 =	smov.u32 s9  }
0x6b: {  	s12 =	sadd.s32 $0x40, s12;
	v20 =	vmul.f32 v20, v11;
	v15 =	vsub.s32 $0x5F3759DF, v19;
	s9 =	smov.u32 s11;
	s11 =	smov.u32 s13;
	v16 =	vld [tilespmem:s13+$0x9E00];
	v19 =	vmul.f32 v12, v7;
	v7 =	vmovc v21  }
0x6c: {  	v21 =	vld [tilespmem:s11+$0xA080];
	_ =	sdelay $0x3  }
0x6d: {  	v18 =	vsub.f32 $1.500000000e+00, v18;
	v22 =	vmul.f32 v15, v8;
	v17 =	vsub.f32 $1.500000000e+00, v17;
	v23 =	vld [tilespmem:s11+$0xA300]  }
0x6e: {  	v10 =	vmul.f32 v14, v10;
	v31 =	vld [tilespmem:s11+$0xA580];
	v19 =	vmul.f32 v19, v12;
	v16 =	vadd.f32 v21, v16  }
0x6f: {  	v20 =	vsub.f32 $1.500000000e+00, v20;
	v13 =	vmul.f32 v13, v18;
	v32 =	vmul.f32 v15, v22  }
0x70: {  	v19 =	vsub.f32 $1.500000000e+00, v19;
	v33 =	vshra.s32 v16, $0x1;
	v21 =	vmul.f32 $5.000000000e-01, v16  }
0x71: {  	v11 =	vmul.f32 v20, v11;
	v34 =	vmul.f32 v13, v7;
	v20 =	vsub.s32 $0x5F3759DF, v33  }
0x72: {  	vm2 =	vgt.f32 v1, $5.000000000e-01;
	v9 =	vmul.f32 v17, v9;
	v36 =	vmul.f32 v20, v21  }
0x73: {  	v37 =	vld [tilespmem:s7+$0xAA80];
	v35 =	vmul.f32 v19, v12;
	v14 =	vadd.f32 v31, v23;
	v17 =	vmul.f32 v34, v13  }
0x74: {  	v18 =	vsub.f32 $1.500000000e+00, v32;
	v5 =	vmul.f32 v11, v5;
	v39 =	vmul.f32 v20, v36  }
0x75: {  	v40 =	vshra.s32 v14, $0x1;
	v23 =	vmul.f32 $5.000000000e-01, v14;
	v17 =	vsub.f32 $1.500000000e+00, v17  }
0x76: {  	v38 =	vmul.f32 v15, v18;
	v1 =	vsub.s32 $0x5F3759DF, v40;
	v18 =	vsub.f32 $1.500000000e+00, v39  }
0x77: {  	v12 =	vnsel vm2, $0x0, v35;
	v41 =	vmul.f32 v1, v23;
	v13 =	vmul.f32 v17, v13  }
0x78: {  	v42 =	vmul.f32 v12, v37;
	v18 =	vmul.f32 v20, v18  }
0x79: {  	vm0 =	vmmov vm0;
	v44 =	vmul.f32 v1, v41;
	v43 =	vmul.f32 v13, v7  }
0x7a: {  	[tilespmem:s10+$0xAD00] =	vst v10;
	v9 =	vnsel vm0, $0x0, v9;
	v47 =	vmul.f32 v18, v21  }
0x7b: {  	v45 =	vld [tilespmem:s11+$0xA800];
	v5 =	vmul.f32 v5, v11;
	[tilespmem:s7+$0xAF80] =	vst v42;
	v10 =	vsub.f32 $1.500000000e+00, v44;
	v7 =	vmul.f32 v43, v13  }
0x7c: {  	v46 =	vmul.f32 v38, v8;
	[tilespmem:s10+$0xB200] =	vst v9;
	v48 =	vmul.f32 v47, v18  }
0x7d: {  	v4 =	vmul.f32 v12, v4;
	v50 =	vld [tilespmem:s9+$0xAA80];
	v1 =	vmul.f32 v1, v10;
	v7 =	vsub.f32 $1.500000000e+00, v7  }
0x7e: {  	v5 =	vsub.f32 $1.500000000e+00, v5;
	v49 =	vmul.f32 v46, v38;
	v9 =	vsub.f32 $1.500000000e+00, v48  }
0x7f: {  	v52 =	vmul.f32 v1, v23;
	v7 =	vmul.f32 v7, v13  }
0x80: {  	vm9 =	vgt.f32 v3, $5.000000000e-01;
	v5 =	vmul.f32 v5, v11;
	v3 =	vmul.f32 v9, v18  }
0x81: {  	v51 =	vsub.f32 $1.500000000e+00, v49;
	v53 =	vmul.f32 v52, v1;
	v7 =	vnsel vm9, $0x0, v7  }
0x82: {  	vm10 =	vmmov vm1;
	v54 =	vmul.f32 v7, v50;
	v55 =	vmul.f32 v3, v21  }
0x83: {  	vm0 =	vmmov vm10;
	[tilespmem:s7+$0xAD00] =	vst v4;
	v10 =	vmul.f32 v51, v38;
	v56 =	vsub.f32 $1.500000000e+00, v53  }
0x84: {  	v5 =	vnsel vm0, $0x0, v5;
	[tilespmem:s9+$0xAF80] =	vst v54;
	v57 =	vmul.f32 v55, v3  }
0x85: {  	v58 =	vmul.f32 v10, v8;
	v1 =	vmul.f32 v56, v1;
	[tilespmem:s7+$0xB200] =	vst v5  }
0x86: {  	v5 =	vld [tilespmem:s11+$0xAA80];
	v59 =	vsub.f32 $1.500000000e+00, v57  }
0x87: {  	v60 =	vmul.f32 v58, v10;
	v61 =	vmul.f32 v1, v23  }
0x88: {  	vm11 =	vgt.f32 v6, $5.000000000e-01;
	vm12 =	vgt.f32 v16, $5.000000000e-01;
	v3 =	vmul.f32 v59, v3  }
0x89: {  	vm13 =	vgt.f32 v14, $5.000000000e-01;
	v62 =	vsub.f32 $1.500000000e+00, v60;
	v63 =	vmul.f32 v61, v1  }
0x8a: {  	vm0 =	vmmov vm11;
	v2 =	vmul.f32 v7, v2;
	v3 =	vnsel vm12, $0x0, v3  }
0x8b: {  	v4 =	vmul.f32 v62, v10;
	v6 =	vsub.f32 $1.500000000e+00, v63;
	v5 =	vmul.f32 v3, v5  }
0x8c: {  	vm14 =	vmmov vm13;
	vm0 =	vmmov vm0;
	[tilespmem:s9+$0xAD00] =	vst v2  }
0x8d: {  	v2 =	vnsel vm0, $0x0, v4;
	v1 =	vmul.f32 v6, v1;
	v3 =	vmul.f32 v3, v45;
	[tilespmem:s11+$0xAF80] =	vst v5  }
0x8e: {  	vm15 =	vmmov vm14;
	[tilespmem:s9+$0xB200] =	vst v2  }
0x8f: {  	v1 =	vnsel vm15, $0x0, v1;
	[tilespmem:s11+$0xAD00] =	vst v3  }
0x90: {  	s9 =	simm.s32 $0xAD00;
	[tilespmem:s11+$0xB200] =	vst v1  }
0x91: {  	[spmem:s15] =	stream.linear.scatter [tilespmem:s9], [sflag:$0x2], $0x280, $0x38;
	[tilespmem:$0xBE80] =	vst v63  }
0x92: {  	s10 =	simm.s32 $0xAF80  }
0x93: {  	[spmem:s16] =	stream.linear.scatter [tilespmem:s10], [sflag:$0x2], $0x280, $0x38;
	[tilespmem:$0xBE80] =	vst v63  }
0x94: {  	s7 =	simm.s32 @!p0 $0x0;
	s9 =	simm.s32 @!p0 $0xB200  }
0x95: {  	[hbm4b:s17+s7] =	stream.linear.scatter @!p0 [tilespmem:s9], [sflag:$0x5], $0x280, $0x38;
	[tilespmem:$0xBE80] =	vst v63  }
0x96: {  	[tilespmem:$0x9E00] =	vst v0  }
0x97: {  	[tilespmem:$0x9E10] =	vst v0  }
0x98: {  	[tilespmem:$0x9E20] =	vst v0  }
0x99: {  	[tilespmem:$0x9E30] =	vst v0  }
0x9a: {  	[tilespmem:$0x9E40] =	vst v0  }
0x9b: {  	[tilespmem:$0x9E50] =	vst v0  }
0x9c: {  	[tilespmem:$0x9E60] =	vst v0  }
0x9d: {  	[tilespmem:$0x9E70] =	vst v0  }
0x9e: {  	[tilespmem:$0x9E80] =	vst v0  }
0x9f: {  	[tilespmem:$0x9E90] =	vst v0  }
0xa0: {  	[tilespmem:$0x9EA0] =	vst v0  }
0xa1: {  	[tilespmem:$0x9EB0] =	vst v0  }
0xa2: {  	[tilespmem:$0x9EC0] =	vst v0  }
0xa3: {  	[tilespmem:$0x9ED0] =	vst v0  }
0xa4: {  	[tilespmem:$0x9EE0] =	vst v0  }
0xa5: {  	[tilespmem:$0x9EF0] =	vst v0  }
0xa6: {  	[tilespmem:$0x9F00] =	vst v0  }
0xa7: {  	[tilespmem:$0x9F10] =	vst v0  }
0xa8: {  	[tilespmem:$0x9F20] =	vst v0  }
0xa9: {  	[tilespmem:$0x9F30] =	vst v0  }
0xaa: {  	[tilespmem:$0x9F40] =	vst v0  }
0xab: {  	[tilespmem:$0x9F50] =	vst v0  }
0xac: {  	[tilespmem:$0x9F60] =	vst v0  }
0xad: {  	[tilespmem:$0x9F70] =	vst v0  }
0xae: {  	[tilespmem:$0x9F80] =	vst v0  }
0xaf: {  	[tilespmem:$0x9F90] =	vst v0  }
0xb0: {  	[tilespmem:$0x9FA0] =	vst v0  }
0xb1: {  	[tilespmem:$0x9FB0] =	vst v0  }
0xb2: {  	[tilespmem:$0x9FC0] =	vst v0  }
0xb3: {  	[tilespmem:$0x9FD0] =	vst v0  }
0xb4: {  	[tilespmem:$0x9FE0] =	vst v0  }
0xb5: {  	[tilespmem:$0x9FF0] =	vst v0  }
0xb6: {  	[tilespmem:$0xA000] =	vst v0  }
0xb7: {  	[tilespmem:$0xA010] =	vst v0  }
0xb8: {  	[tilespmem:$0xA020] =	vst v0  }
0xb9: {  	[tilespmem:$0xA030] =	vst v0  }
0xba: {  	[tilespmem:$0xA040] =	vst v0  }
0xbb: {  	[tilespmem:$0xA050] =	vst v0  }
0xbc: {  	[tilespmem:$0xA060] =	vst v0  }
0xbd: {  	[tilespmem:$0xA070] =	vst v0  }
0xbe: {  	[spmem:s18] =	stream.linear.scatter [tilespmem:s26], [sflag:$0x2], $0x280, $0x38;
	[tilespmem:$0xBE80] =	vst v63  }
0xbf: {  	_ = 	snop  }
0xc0: {  	[spmem:s19] =	stream.linear.scatter [tilespmem:s26], [sflag:$0x2], $0x280, $0x38;
	[tilespmem:$0xBE80] =	vst v63  }
0xc1: {  	_ =	swait.ge [sflag:s5], $0x2710  }
0xc2: {  	[sflag:s5] =	ssyncset.done $0x0  }
0xc3: {  	[sflag:s5] =	ssyncadd.s32 $0xFFFFD8F0  }
0xc4: {  	_ =	swait.ge [sflag:s5], $0x2710  }
0xc5: {  	[sflag:s5] =	ssyncset.done $0x0  }
0xc6: {  	[sflag:s5] =	ssyncadd.s32 $0xFFFFD8F0  }
0xc7: {  	_ =	swait.ge [sflag:s1], $0x280  }
0xc8: {  	[sflag:s1] =	ssyncset.done $0x0  }
0xc9: {  	[sflag:s1] =	ssyncadd.s32 $0xFFFFFD80  }
0xca: {  	_ =	swait.ge [sflag:s1], $0x280  }
0xcb: {  	[sflag:s1] =	ssyncset.done $0x0  }
0xcc: {  	[sflag:s1] =	ssyncadd.s32 $0xFFFFFD80  }
0xcd: {  	_ =	swait.ge [sflag:s1], $0x280  }
0xce: {  	[sflag:s1] =	ssyncset.done $0x0  }
0xcf: {  	[sflag:s1] =	ssyncadd.s32 $0xFFFFFD80  }
0xd0: {  	_ =	swait.ge [sflag:s1], $0x280  }
0xd1: {  	[sflag:s1] =	ssyncset.done $0x0  }
0xd2: {  	[sflag:s1] =	ssyncadd.s32 $0xFFFFFD80  }
0xd3: {  	[bflag:$0x0] =	sbarrier.arrive $0xFFFF  }
0xd4: {  	s11 =	rddreg [dreg:$0x1]  }
0xd5: {  	[tilespmem:s0], [sflag:$0x1] =	stream.indirect.gather [spmem:s11], $0x1, s6, s28, $0xb8;
	[tilespmem:$0xBE80] =	vst v63  }
0xd6: {  	s12 =	rddreg [dreg:$0x2]  }
0xd7: {  	[tilespmem:s29], [sflag:$0x2] =	stream.indirect.gather [spmem:s12], $0x1, s6, s28, $0xb8;
	[tilespmem:$0xBE80] =	vst v63  }
0xd8: {  	_ =	swait.ge [sflag:s5], $0x2710  }
0xd9: {  	[sflag:s5] =	ssyncset.done $0x0  }
0xda: {  	[sflag:s5] =	ssyncadd.s32 $0xFFFFD8F0  }
0xdb: {  	s13 =	rddreg [dreg:$0x3]  }
0xdc: {  	[spmem:s13] =	stream.indirect.scatter.add.f32 [tilespmem:s0], [sflag:$0x3], $0x1, s23, s28, $0xb8;
	[tilespmem:$0xBE80] =	vst v63  }
0xdd: {  	_ =	swait.ge [sflag:s1], $0x2710  }
0xde: {  	[sflag:s1] =	ssyncset.done $0x0  }
0xdf: {  	[sflag:s1] =	ssyncadd.s32 $0xFFFFD8F0  }
0xe0: {  	s9 =	rddreg [dreg:$0x4]  }
0xe1: {  	[spmem:s9] =	stream.indirect.scatter.add.f32 [tilespmem:s29], [sflag:$0x4], $0x1, s23, s28, $0xb8;
	[tilespmem:$0xBE80] =	vst v63  }
0xe2: {  	_ =	swait.ge [sflag:s30], $0x2710  }
0xe3: {  	[sflag:s30] =	ssyncset.done $0x0  }
0xe4: {  	[sflag:s30] =	ssyncadd.s32 $0xFFFFD8F0  }
0xe5: {  	s10 =	stileid.u32;
	_ =	swait.ge [sflag:s31], $0x2710  }
0xe6: {  	s7 =	sshll.u32 s10, $0x6;
	[sflag:s31] =	ssyncset.done $0x0  }
0xe7: {  	s11 =	sor.u32 $0x1C01, s7;
	s7 =	sor.u32 $0x1C02, s7;
	[sflag:s31] =	ssyncadd.s32 $0xFFFFD8F0  }
0xe8: {  	s12 =	sshrl.u32 s18, $0x3;
	s13 =	sshrl.u32 s19, $0x3;
	[bflag:$0x0] =	sbarrier.arrive $0xFFFF  }
0xe9: {  	[hbm:s20@s3], [sflag:s11] =	dma.strided [spmem:s12@s2], $0x50, s5, $0x10   }
0xea: {  	[hbm:s21@s3], [sflag:s7] =	dma.strided [spmem:s13@s2], $0x50, s5, $0x10   }
0xeb: {  	_ =	swait.ge [sflag:s5], $0x50  }
0xec: {  	[sflag:s5] =	ssyncset.done $0x0  }
0xed: {  	s4 =	sadd.s32 $0x1, s4;
	[sflag:s5] =	ssyncadd.s32 $0xFFFFFFB0  }
0xee: {  	p1 =	sne.s32 s4, s22;
	_ =	swait.ge [sflag:s1], $0x50  }
.Ltmp1:
0xef: {  	[sflag:s1] =	ssyncset.done $0x0;
	(pc) =	sbr.rel @p1 .LBB2_1-.Ltmp1, $4  }
0xf0: {  	s7 =	simm.s32 @!p0 $0x5;
	[sflag:s1] =	ssyncadd.s32 $0xFFFFFFB0  }
0xf1: {  	_ =	swait.ge @!p0 [sflag:s7], $0x280  }
0xf2: {  	[sflag:s7] =	ssyncset.done @!p0 $0x0  }
0xf3: {  	[sflag:s7] =	ssyncadd.s32 @!p0 $0xFFFFFD80  }
0xf4: {  	_ =	sfence.sel $0x180000  }
0xf5: {  	[bflag:$0x0] =	sbarrier.arrive $0xFFFF  }
0xf6: {  	_ =	strace $0x9000004A  }
0xf7: {  	s0 =	stileid.u32;
	[bflag:$0x2] =	sbarrier.arrive $0xFFFF  }
0xf8: {  	p0 =	sne.s32 s0, $0x0;
	s0 =	rddreg [dreg:$0x5]  }
0xf9: {  	s0 =	sadd.s32 @!p0 $0x100000, s0  }
0xfa: {  	[sflag:s0] =	ssyncadd.tile.s32 @!p0 $0x1;
	_ =	shalt  }
.Lfunc_end2:
_tile_overlayer_lowered:
.L_overlay_start_2:
0xfb: {  	(tag) =	ssettag $0x2  }
0xfc: {  	s0 =	rddreg [dreg:$0x0];
	s2 =	stileid.u32  }
0xfd: {  	s1 =	rddreg [dreg:$0x1];
	p0 =	sne.s32 s2, $0x0  }
0xfe: {  	s3 =	rddreg [dreg:$0x2];
	[bflag:$0x3] =	sbarrier.arrive $0xFFFF;
	s2 =	simm.s32 @!p0 $0x1C06  }
0xff: {  	[timem:s3], [sflag:s2] =	dma.local @!p0 [hbm:s0], s1  }
0x100: {  	s0 =	simm.s32 @!p0 $0x6  }
0x101: {  	_ =	swait.ge @!p0 [sflag:s0], s1  }
0x102: {  	s1 =	ssub.s32 @!p0 $0x0, s1;
	[sflag:s0] =	ssyncset.done @!p0 $0x0  }
0x103: {  	[sflag:s0] =	ssyncadd.s32 @!p0 s1  }
0x104: {  	[bflag:$0x3] =	sbarrier.arrive $0xFFFF  }
0x105: {  	_ =	shalt  }

</sc_bundles>
